<compile_context>
chip_gen: v7x
topology: tpu7x:2x2x1
jax: 0.10.2.dev20260603
libtpu: 0.0.44.dev20260713+nightly
codegen_flags: <defaults>
</compile_context>

<pallas_src>
import functools

import jax
import jax.numpy as jnp
from jax import lax
from jax.experimental import pallas as pl
from jax.experimental.pallas import tpu as pltpu
from jax.experimental.pallas import tpu_sc as plsc

N_NODES = 10000
N_EDGES = 320000
D = 128
LANES = 16
VPR = D // LANES

NC = 2
NS = 16
NW = NC * NS
EDGES_PER_WORKER = N_EDGES // NW
CHUNK = 80
NCHUNKS = EDGES_PER_WORKER // CHUNK
N_PAD = 10240
ROWS_PER_TILE = N_PAD // NS


def _sc_body(x_hbm, src_hbm, dst_hbm, ew_hbm, out_hbm,
             sidx_v, didx_v, rows_v, ew_v, agg_sh, sem):
    cid = lax.axis_index("c")
    sid = lax.axis_index("s")
    wid = cid * NS + sid
    base_w = wid * EDGES_PER_WORKER

    zero = jnp.zeros((LANES,), jnp.float32)

    def zfill(i, _):
        for j in range(VPR):
            rows_v[i, pl.ds(j * LANES, LANES)] = zero
        return 0

    lax.fori_loop(0, CHUNK, zfill, 0)
    for k in range(ROWS_PER_TILE // CHUNK):
        r0 = sid * ROWS_PER_TILE + k * CHUNK
        pltpu.sync_copy(rows_v, agg_sh.at[pl.ds(r0, CHUNK)])

    plsc.subcore_barrier()

    def chunk_body(g, _):
        base = base_w + g * CHUNK
        pltpu.sync_copy(src_hbm.at[pl.ds(base, CHUNK)], sidx_v)
        pltpu.sync_copy(dst_hbm.at[pl.ds(base, CHUNK)], didx_v)
        gather = pltpu.async_copy(x_hbm.at[sidx_v], rows_v, sem)
        pltpu.sync_copy(ew_hbm.at[pl.ds(base, CHUNK)], ew_v)
        gather.wait()

        def mul(e, _):
            for j in range(VPR):
                sl = pl.ds(j * LANES, LANES)
                rows_v[e, sl] = rows_v[e, sl] * ew_v[e, sl]
            return 0

        lax.fori_loop(0, CHUNK, mul, 0)
        pltpu.sync_copy(rows_v, agg_sh.at[didx_v], add=True)
        return 0

    lax.fori_loop(0, NCHUNKS, chunk_body, 0)

    plsc.subcore_barrier()

    for k in range(ROWS_PER_TILE // CHUNK):
        r0 = sid * ROWS_PER_TILE + k * CHUNK
        pltpu.sync_copy(agg_sh.at[pl.ds(r0, CHUNK)], out_hbm.at[cid, pl.ds(r0, CHUNK)])


@jax.jit
def _sc_aggregate(x, src, dst, edge_weight):
    mesh = plsc.VectorSubcoreMesh(core_axis_name="c", subcore_axis_name="s")
    return pl.kernel(
        _sc_body,
        out_type=jax.ShapeDtypeStruct((NC, N_PAD, D), jnp.float32),
        mesh=mesh,
        scratch_types=[
            pltpu.VMEM((CHUNK,), jnp.int32),
            pltpu.VMEM((CHUNK,), jnp.int32),
            pltpu.VMEM((CHUNK, D), jnp.float32),
            pltpu.VMEM((CHUNK, D), jnp.float32),
            pltpu.VMEM_SHARED((N_PAD, D), jnp.float32),
            pltpu.SemaphoreType.DMA,
        ],
    )(x, src, dst, edge_weight)


ROW_BLK = 1000


def _tc_body(agg_ref, x_ref, wlt_ref, wrt_ref, b_ref, o_ref):
    a = agg_ref[0] + agg_ref[1]
    o_ref[...] = (
        jnp.dot(a, wlt_ref[...], preferred_element_type=jnp.float32)
        + jnp.dot(x_ref[...], wrt_ref[...], preferred_element_type=jnp.float32)
        + b_ref[...]
    )


@jax.jit
def _tc_finish(partials, x, W_l, b_l, W_r):
    grid = (N_NODES // ROW_BLK,)
    return pl.pallas_call(
        _tc_body,
        grid=grid,
        in_specs=[
            pl.BlockSpec((NC, ROW_BLK, D), lambda i: (0, i, 0)),
            pl.BlockSpec((ROW_BLK, D), lambda i: (i, 0)),
            pl.BlockSpec((D, D), lambda i: (0, 0)),
            pl.BlockSpec((D, D), lambda i: (0, 0)),
            pl.BlockSpec((1, D), lambda i: (0, 0)),
        ],
        out_specs=pl.BlockSpec((ROW_BLK, D), lambda i: (i, 0)),
        out_shape=jax.ShapeDtypeStruct((N_NODES, D), jnp.float32),
    )(partials, x, W_l.T, W_r.T, b_l.reshape(1, D))


def kernel(x, edge_index, edge_weight, W_l, b_l, W_r):
    src = edge_index[0].astype(jnp.int32)
    dst = edge_index[1].astype(jnp.int32)
    partials = _sc_aggregate(x, src, dst, edge_weight)
    return _tc_finish(partials, x, W_l, b_l, W_r)

# --- scband reference (transcript-rebuilt; emitter-appended) ---
"""Pipeline reference for scband-pro-net-47218870453019 (READ-ONLY COPY).

The authoritative reference and input builder live on the scoring server;
editing this copy changes nothing except your own understanding.
"""

import jax, jax.numpy as jnp
import numpy as np

N_NODES = 10000
N_EDGES = 320000
D = 128


def glorot(key, shape):
    fan_in, fan_out = shape[1], shape[0]
    limit = jnp.sqrt(6.0 / (fan_in + fan_out))
    return jax.random.uniform(key, shape, dtype=jnp.float32, minval=-limit, maxval=limit)


def setup_inputs(seed: int = 0) -> dict:
    key = jax.random.key(seed)
    k_x, k_ei, k_ew, k_wl, k_wr = jax.random.split(key, 5)
    x = jax.random.normal(k_x, (N_NODES, D), dtype=jnp.float32)
    edge_index = jax.random.randint(k_ei, (2, N_EDGES), 0, N_NODES, dtype=jnp.int64)
    edge_weight = jax.random.uniform(k_ew, (N_EDGES, D), dtype=jnp.float32)
    # Parameters of EdgeGraphConv: lin_l (with bias), lin_r (no bias)
    W_l = glorot(k_wl, (D, D))
    b_l = jnp.zeros((D,), dtype=jnp.float32)
    W_r = glorot(k_wr, (D, D))
    return {"x": x, "edge_index": edge_index, "edge_weight": edge_weight,
            "W_l": W_l, "b_l": b_l, "W_r": W_r}


def reference(x, edge_index, edge_weight, W_l, b_l, W_r):
    # EdgeGraphConv.forward:
    #   message: edge_weight * x_j  (Hadamard with edge feature)
    #   aggregate: scatter-add into destination nodes
    #   out = lin_l(agg) + lin_r(x)
    src = edge_index[0]
    dst = edge_index[1]
    x_j = jnp.take(x, src, axis=0)                      # gather [E, D]
    msg = edge_weight * x_j                             # Hadamard [E, D]
    agg = jax.ops.segment_sum(msg, dst, num_segments=x.shape[0])  # scatter-add [N, D]
    out = agg @ W_l.T + b_l + x @ W_r.T
    return out

if __name__ == "__main__":
    import jax
    _d = setup_inputs()
    print(jax.jit(kernel)(*tuple(_d.values())))

</pallas_src>

<mosaic_0001>
#map = affine_map<(d0, d1) -> (0, 0)>
#map1 = affine_map<(d0, d1) -> (0)>
#map2 = affine_map<(d0, d1) -> (0, 0, 0)>
module attributes {stable_mosaic.version = 14 : i64} {
  func.func @_sc_body(%arg0: i32, %arg1: i32, %arg2: memref<10000x128xf32, #tpu.memory_space<hbm>>, %arg3: memref<320000xi32, #tpu.memory_space<hbm>>, %arg4: memref<320000xi32, #tpu.memory_space<hbm>>, %arg5: memref<320000x128xf32, #tpu.memory_space<hbm>>, %arg6: memref<2x10240x128xf32, #tpu.memory_space<hbm>>, %arg7: memref<80xi32, #tpu.memory_space<vmem>>, %arg8: memref<80xi32, #tpu.memory_space<vmem>>, %arg9: memref<80x128xf32, #tpu.memory_space<vmem>>, %arg10: memref<80x128xf32, #tpu.memory_space<vmem>>, %arg11: memref<10240x128xf32, #tpu.memory_space<vmem_shared>>, %arg12: memref<!tpu.dma_semaphore, #tpu.memory_space<semaphore_mem>>) attributes {dimension_semantics = [#tpu.dimension_semantics<core_parallel>, #tpu.dimension_semantics<subcore_parallel>], iteration_bounds = array<i64: 2, 16>, scalar_prefetch = 0 : i64, scratch_operands = 6 : i64, tpu.core_type = #tpu.core_type<sc_vector_subcore>, window_params = [{transform_indices = #map}, {transform_indices = #map1}, {transform_indices = #map1}, {transform_indices = #map}, {transform_indices = #map2}]} {
    %mul3A = arith.constant 16 : i32
    %mul3A_0 = arith.muli %arg0, %mul3A : i32
    %add3A = arith.addi %mul3A_0, %arg1 : i32
    %mul3A_1 = arith.constant 10000 : i32
    %mul3A_2 = arith.muli %add3A, %mul3A_1 : i32
    %broadcast_in_dim3A = arith.constant 0.000000e+00 : f32
    %broadcast_in_dim3A_3 = vector.broadcast %broadcast_in_dim3A : f32 to vector<16xf32>
    %scan3A = arith.constant 0 : i32
    %scan3A_4 = arith.constant 0 : i32
    %scan3A_5 = arith.constant 80 : i32
    %scan3A_6 = arith.addi %scan3A_4, %scan3A_5 : i32
    %scan3A_7 = arith.constant 1 : i32
    %scan3A_8 = scf.for %scan3A_82 = %scan3A_4 to %scan3A_6 step %scan3A_7 iter_args(%scan3A_83 = %scan3A) -> (i32)  : i32 {
      %swap3A = arith.index_cast %scan3A_82 : i32 to index
      %swap3A_84 = arith.constant 0 : index
      %swap3A_85 = tpu.vector_load %arg9[%swap3A, %swap3A_84] {strides = array<i32>} : memref<80x128xf32, #tpu.memory_space<vmem>>, vector<1x16xf32>,
      %swap3A_86 = vector.shape_cast %swap3A_85 : vector<1x16xf32> to vector<16xf32>
      %swap3A_87 = vector.shape_cast %broadcast_in_dim3A_3 : vector<16xf32> to vector<1x16xf32>
      tpu.vector_store %arg9[%swap3A, %swap3A_84], %swap3A_87 {strides = array<i32>} : memref<80x128xf32, #tpu.memory_space<vmem>>, vector<1x16xf32>,
      %swap3A_88 = arith.index_cast %scan3A_82 : i32 to index
      %swap3A_89 = arith.constant 16 : index
      %swap3A_90 = tpu.vector_load %arg9[%swap3A_88, %swap3A_89] {strides = array<i32>} : memref<80x128xf32, #tpu.memory_space<vmem>>, vector<1x16xf32>,
      %swap3A_91 = vector.shape_cast %swap3A_90 : vector<1x16xf32> to vector<16xf32>
      %swap3A_92 = vector.shape_cast %broadcast_in_dim3A_3 : vector<16xf32> to vector<1x16xf32>
      tpu.vector_store %arg9[%swap3A_88, %swap3A_89], %swap3A_92 {strides = array<i32>} : memref<80x128xf32, #tpu.memory_space<vmem>>, vector<1x16xf32>,
      %swap3A_93 = arith.index_cast %scan3A_82 : i32 to index
      %swap3A_94 = arith.constant 32 : index
      %swap3A_95 = tpu.vector_load %arg9[%swap3A_93, %swap3A_94] {strides = array<i32>} : memref<80x128xf32, #tpu.memory_space<vmem>>, vector<1x16xf32>,
      %swap3A_96 = vector.shape_cast %swap3A_95 : vector<1x16xf32> to vector<16xf32>
      %swap3A_97 = vector.shape_cast %broadcast_in_dim3A_3 : vector<16xf32> to vector<1x16xf32>
      tpu.vector_store %arg9[%swap3A_93, %swap3A_94], %swap3A_97 {strides = array<i32>} : memref<80x128xf32, #tpu.memory_space<vmem>>, vector<1x16xf32>,
      %swap3A_98 = arith.index_cast %scan3A_82 : i32 to index
      %swap3A_99 = arith.constant 48 : index
      %swap3A_100 = tpu.vector_load %arg9[%swap3A_98, %swap3A_99] {strides = array<i32>} : memref<80x128xf32, #tpu.memory_space<vmem>>, vector<1x16xf32>,
      %swap3A_101 = vector.shape_cast %swap3A_100 : vector<1x16xf32> to vector<16xf32>
      %swap3A_102 = vector.shape_cast %broadcast_in_dim3A_3 : vector<16xf32> to vector<1x16xf32>
      tpu.vector_store %arg9[%swap3A_98, %swap3A_99], %swap3A_102 {strides = array<i32>} : memref<80x128xf32, #tpu.memory_space<vmem>>, vector<1x16xf32>,
      %swap3A_103 = arith.index_cast %scan3A_82 : i32 to index
      %swap3A_104 = arith.constant 64 : index
      %swap3A_105 = tpu.vector_load %arg9[%swap3A_103, %swap3A_104] {strides = array<i32>} : memref<80x128xf32, #tpu.memory_space<vmem>>, vector<1x16xf32>,
      %swap3A_106 = vector.shape_cast %swap3A_105 : vector<1x16xf32> to vector<16xf32>
      %swap3A_107 = vector.shape_cast %broadcast_in_dim3A_3 : vector<16xf32> to vector<1x16xf32>
      tpu.vector_store %arg9[%swap3A_103, %swap3A_104], %swap3A_107 {strides = array<i32>} : memref<80x128xf32, #tpu.memory_space<vmem>>, vector<1x16xf32>,
      %swap3A_108 = arith.index_cast %scan3A_82 : i32 to index
      %swap3A_109 = arith.constant 80 : index
      %swap3A_110 = tpu.vector_load %arg9[%swap3A_108, %swap3A_109] {strides = array<i32>} : memref<80x128xf32, #tpu.memory_space<vmem>>, vector<1x16xf32>,
      %swap3A_111 = vector.shape_cast %swap3A_110 : vector<1x16xf32> to vector<16xf32>
      %swap3A_112 = vector.shape_cast %broadcast_in_dim3A_3 : vector<16xf32> to vector<1x16xf32>
      tpu.vector_store %arg9[%swap3A_108, %swap3A_109], %swap3A_112 {strides = array<i32>} : memref<80x128xf32, #tpu.memory_space<vmem>>, vector<1x16xf32>,
      %swap3A_113 = arith.index_cast %scan3A_82 : i32 to index
      %swap3A_114 = arith.constant 96 : index
      %swap3A_115 = tpu.vector_load %arg9[%swap3A_113, %swap3A_114] {strides = array<i32>} : memref<80x128xf32, #tpu.memory_space<vmem>>, vector<1x16xf32>,
      %swap3A_116 = vector.shape_cast %swap3A_115 : vector<1x16xf32> to vector<16xf32>
      %swap3A_117 = vector.shape_cast %broadcast_in_dim3A_3 : vector<16xf32> to vector<1x16xf32>
      tpu.vector_store %arg9[%swap3A_113, %swap3A_114], %swap3A_117 {strides = array<i32>} : memref<80x128xf32, #tpu.memory_space<vmem>>, vector<1x16xf32>,
      %swap3A_118 = arith.index_cast %scan3A_82 : i32 to index
      %swap3A_119 = arith.constant 112 : index
      %swap3A_120 = tpu.vector_load %arg9[%swap3A_118, %swap3A_119] {strides = array<i32>} : memref<80x128xf32, #tpu.memory_space<vmem>>, vector<1x16xf32>,
      %swap3A_121 = vector.shape_cast %swap3A_120 : vector<1x16xf32> to vector<16xf32>
      %swap3A_122 = vector.shape_cast %broadcast_in_dim3A_3 : vector<16xf32> to vector<1x16xf32>
      tpu.vector_store %arg9[%swap3A_118, %swap3A_119], %swap3A_122 {strides = array<i32>} : memref<80x128xf32, #tpu.memory_space<vmem>>, vector<1x16xf32>,
      %scan3A_123 = arith.constant 0 : i32
      scf.yield %scan3A_123 : i32
    }
    %scan3A_9 = arith.constant 80 : i32
    %mul3A_10 = arith.constant 640 : i32
    %mul3A_11 = arith.muli %arg1, %mul3A_10 : i32
    %add3A_12 = arith.constant 0 : i32
    %add3A_13 = arith.addi %mul3A_11, %add3A_12 : i32
    "tpu.region"() ({
      %run_scoped3A = tpu.sem_alloc : memref<!tpu.dma_semaphore, #tpu.memory_space<semaphore_mem>>
      %dma_start3A = arith.constant 0 : i32
      %dma_start3A_82 = tpu.memref_slice %arg11[%add3A_13, %dma_start3A] : memref<10240x128xf32, #tpu.memory_space<vmem_shared>> -> memref<80x128xf32, #tpu.memory_space<vmem_shared>>
      %dma_start3A_83 = arith.constant 0 : i32
      %dma_start3A_84 = tpu.memref_slice %arg11[%add3A_13, %dma_start3A_83] : memref<10240x128xf32, #tpu.memory_space<vmem_shared>> -> memref<80x128xf32, #tpu.memory_space<vmem_shared>>
      tpu.enqueue_dma source(%arg9 : memref<80x128xf32, #tpu.memory_space<vmem>>) target(%dma_start3A_84 : memref<80x128xf32, #tpu.memory_space<vmem_shared>>) target_semaphore(%run_scoped3A : memref<!tpu.dma_semaphore, #tpu.memory_space<semaphore_mem>>)
      %dma_wait3A = arith.constant 0 : i32
      %dma_wait3A_85 = tpu.memref_slice %arg11[%add3A_13, %dma_wait3A] : memref<10240x128xf32, #tpu.memory_space<vmem_shared>> -> memref<80x128xf32, #tpu.memory_space<vmem_shared>>
      %dma_wait3A_86 = arith.constant 0 : i32
      %dma_wait3A_87 = tpu.memref_slice %arg11[%add3A_13, %dma_wait3A_86] : memref<10240x128xf32, #tpu.memory_space<vmem_shared>> -> memref<80x128xf32, #tpu.memory_space<vmem_shared>>
      tpu.wait_dma2 semaphore(%run_scoped3A : memref<!tpu.dma_semaphore, #tpu.memory_space<semaphore_mem>>) src(%arg9 : memref<80x128xf32, #tpu.memory_space<vmem>>) dst(%dma_wait3A_87 : memref<80x128xf32, #tpu.memory_space<vmem_shared>>)
      tpu.yield
    }) : () -> ()
    %mul3A_14 = arith.constant 640 : i32
    %mul3A_15 = arith.muli %arg1, %mul3A_14 : i32
    %add3A_16 = arith.constant 80 : i32
    %add3A_17 = arith.addi %mul3A_15, %add3A_16 : i32
    "tpu.region"() ({
      %run_scoped3A = tpu.sem_alloc : memref<!tpu.dma_semaphore, #tpu.memory_space<semaphore_mem>>
      %dma_start3A = arith.constant 0 : i32
      %dma_start3A_82 = tpu.memref_slice %arg11[%add3A_17, %dma_start3A] : memref<10240x128xf32, #tpu.memory_space<vmem_shared>> -> memref<80x128xf32, #tpu.memory_space<vmem_shared>>
      %dma_start3A_83 = arith.constant 0 : i32
      %dma_start3A_84 = tpu.memref_slice %arg11[%add3A_17, %dma_start3A_83] : memref<10240x128xf32, #tpu.memory_space<vmem_shared>> -> memref<80x128xf32, #tpu.memory_space<vmem_shared>>
      tpu.enqueue_dma source(%arg9 : memref<80x128xf32, #tpu.memory_space<vmem>>) target(%dma_start3A_84 : memref<80x128xf32, #tpu.memory_space<vmem_shared>>) target_semaphore(%run_scoped3A : memref<!tpu.dma_semaphore, #tpu.memory_space<semaphore_mem>>)
      %dma_wait3A = arith.constant 0 : i32
      %dma_wait3A_85 = tpu.memref_slice %arg11[%add3A_17, %dma_wait3A] : memref<10240x128xf32, #tpu.memory_space<vmem_shared>> -> memref<80x128xf32, #tpu.memory_space<vmem_shared>>
      %dma_wait3A_86 = arith.constant 0 : i32
      %dma_wait3A_87 = tpu.memref_slice %arg11[%add3A_17, %dma_wait3A_86] : memref<10240x128xf32, #tpu.memory_space<vmem_shared>> -> memref<80x128xf32, #tpu.memory_space<vmem_shared>>
      tpu.wait_dma2 semaphore(%run_scoped3A : memref<!tpu.dma_semaphore, #tpu.memory_space<semaphore_mem>>) src(%arg9 : memref<80x128xf32, #tpu.memory_space<vmem>>) dst(%dma_wait3A_87 : memref<80x128xf32, #tpu.memory_space<vmem_shared>>)
      tpu.yield
    }) : () -> ()
    %mul3A_18 = arith.constant 640 : i32
    %mul3A_19 = arith.muli %arg1, %mul3A_18 : i32
    %add3A_20 = arith.constant 160 : i32
    %add3A_21 = arith.addi %mul3A_19, %add3A_20 : i32
    "tpu.region"() ({
      %run_scoped3A = tpu.sem_alloc : memref<!tpu.dma_semaphore, #tpu.memory_space<semaphore_mem>>
      %dma_start3A = arith.constant 0 : i32
      %dma_start3A_82 = tpu.memref_slice %arg11[%add3A_21, %dma_start3A] : memref<10240x128xf32, #tpu.memory_space<vmem_shared>> -> memref<80x128xf32, #tpu.memory_space<vmem_shared>>
      %dma_start3A_83 = arith.constant 0 : i32
      %dma_start3A_84 = tpu.memref_slice %arg11[%add3A_21, %dma_start3A_83] : memref<10240x128xf32, #tpu.memory_space<vmem_shared>> -> memref<80x128xf32, #tpu.memory_space<vmem_shared>>
      tpu.enqueue_dma source(%arg9 : memref<80x128xf32, #tpu.memory_space<vmem>>) target(%dma_start3A_84 : memref<80x128xf32, #tpu.memory_space<vmem_shared>>) target_semaphore(%run_scoped3A : memref<!tpu.dma_semaphore, #tpu.memory_space<semaphore_mem>>)
      %dma_wait3A = arith.constant 0 : i32
      %dma_wait3A_85 = tpu.memref_slice %arg11[%add3A_21, %dma_wait3A] : memref<10240x128xf32, #tpu.memory_space<vmem_shared>> -> memref<80x128xf32, #tpu.memory_space<vmem_shared>>
      %dma_wait3A_86 = arith.constant 0 : i32
      %dma_wait3A_87 = tpu.memref_slice %arg11[%add3A_21, %dma_wait3A_86] : memref<10240x128xf32, #tpu.memory_space<vmem_shared>> -> memref<80x128xf32, #tpu.memory_space<vmem_shared>>
      tpu.wait_dma2 semaphore(%run_scoped3A : memref<!tpu.dma_semaphore, #tpu.memory_space<semaphore_mem>>) src(%arg9 : memref<80x128xf32, #tpu.memory_space<vmem>>) dst(%dma_wait3A_87 : memref<80x128xf32, #tpu.memory_space<vmem_shared>>)
      tpu.yield
    }) : () -> ()
    %mul3A_22 = arith.constant 640 : i32
    %mul3A_23 = arith.muli %arg1, %mul3A_22 : i32
    %add3A_24 = arith.constant 240 : i32
    %add3A_25 = arith.addi %mul3A_23, %add3A_24 : i32
    "tpu.region"() ({
      %run_scoped3A = tpu.sem_alloc : memref<!tpu.dma_semaphore, #tpu.memory_space<semaphore_mem>>
      %dma_start3A = arith.constant 0 : i32
      %dma_start3A_82 = tpu.memref_slice %arg11[%add3A_25, %dma_start3A] : memref<10240x128xf32, #tpu.memory_space<vmem_shared>> -> memref<80x128xf32, #tpu.memory_space<vmem_shared>>
      %dma_start3A_83 = arith.constant 0 : i32
      %dma_start3A_84 = tpu.memref_slice %arg11[%add3A_25, %dma_start3A_83] : memref<10240x128xf32, #tpu.memory_space<vmem_shared>> -> memref<80x128xf32, #tpu.memory_space<vmem_shared>>
      tpu.enqueue_dma source(%arg9 : memref<80x128xf32, #tpu.memory_space<vmem>>) target(%dma_start3A_84 : memref<80x128xf32, #tpu.memory_space<vmem_shared>>) target_semaphore(%run_scoped3A : memref<!tpu.dma_semaphore, #tpu.memory_space<semaphore_mem>>)
      %dma_wait3A = arith.constant 0 : i32
      %dma_wait3A_85 = tpu.memref_slice %arg11[%add3A_25, %dma_wait3A] : memref<10240x128xf32, #tpu.memory_space<vmem_shared>> -> memref<80x128xf32, #tpu.memory_space<vmem_shared>>
      %dma_wait3A_86 = arith.constant 0 : i32
      %dma_wait3A_87 = tpu.memref_slice %arg11[%add3A_25, %dma_wait3A_86] : memref<10240x128xf32, #tpu.memory_space<vmem_shared>> -> memref<80x128xf32, #tpu.memory_space<vmem_shared>>
      tpu.wait_dma2 semaphore(%run_scoped3A : memref<!tpu.dma_semaphore, #tpu.memory_space<semaphore_mem>>) src(%arg9 : memref<80x128xf32, #tpu.memory_space<vmem>>) dst(%dma_wait3A_87 : memref<80x128xf32, #tpu.memory_space<vmem_shared>>)
      tpu.yield
    }) : () -> ()
    %mul3A_26 = arith.constant 640 : i32
    %mul3A_27 = arith.muli %arg1, %mul3A_26 : i32
    %add3A_28 = arith.constant 320 : i32
    %add3A_29 = arith.addi %mul3A_27, %add3A_28 : i32
    "tpu.region"() ({
      %run_scoped3A = tpu.sem_alloc : memref<!tpu.dma_semaphore, #tpu.memory_space<semaphore_mem>>
      %dma_start3A = arith.constant 0 : i32
      %dma_start3A_82 = tpu.memref_slice %arg11[%add3A_29, %dma_start3A] : memref<10240x128xf32, #tpu.memory_space<vmem_shared>> -> memref<80x128xf32, #tpu.memory_space<vmem_shared>>
      %dma_start3A_83 = arith.constant 0 : i32
      %dma_start3A_84 = tpu.memref_slice %arg11[%add3A_29, %dma_start3A_83] : memref<10240x128xf32, #tpu.memory_space<vmem_shared>> -> memref<80x128xf32, #tpu.memory_space<vmem_shared>>
      tpu.enqueue_dma source(%arg9 : memref<80x128xf32, #tpu.memory_space<vmem>>) target(%dma_start3A_84 : memref<80x128xf32, #tpu.memory_space<vmem_shared>>) target_semaphore(%run_scoped3A : memref<!tpu.dma_semaphore, #tpu.memory_space<semaphore_mem>>)
      %dma_wait3A = arith.constant 0 : i32
      %dma_wait3A_85 = tpu.memref_slice %arg11[%add3A_29, %dma_wait3A] : memref<10240x128xf32, #tpu.memory_space<vmem_shared>> -> memref<80x128xf32, #tpu.memory_space<vmem_shared>>
      %dma_wait3A_86 = arith.constant 0 : i32
      %dma_wait3A_87 = tpu.memref_slice %arg11[%add3A_29, %dma_wait3A_86] : memref<10240x128xf32, #tpu.memory_space<vmem_shared>> -> memref<80x128xf32, #tpu.memory_space<vmem_shared>>
      tpu.wait_dma2 semaphore(%run_scoped3A : memref<!tpu.dma_semaphore, #tpu.memory_space<semaphore_mem>>) src(%arg9 : memref<80x128xf32, #tpu.memory_space<vmem>>) dst(%dma_wait3A_87 : memref<80x128xf32, #tpu.memory_space<vmem_shared>>)
      tpu.yield
    }) : () -> ()
    %mul3A_30 = arith.constant 640 : i32
    %mul3A_31 = arith.muli %arg1, %mul3A_30 : i32
    %add3A_32 = arith.constant 400 : i32
    %add3A_33 = arith.addi %mul3A_31, %add3A_32 : i32
    "tpu.region"() ({
      %run_scoped3A = tpu.sem_alloc : memref<!tpu.dma_semaphore, #tpu.memory_space<semaphore_mem>>
      %dma_start3A = arith.constant 0 : i32
      %dma_start3A_82 = tpu.memref_slice %arg11[%add3A_33, %dma_start3A] : memref<10240x128xf32, #tpu.memory_space<vmem_shared>> -> memref<80x128xf32, #tpu.memory_space<vmem_shared>>
      %dma_start3A_83 = arith.constant 0 : i32
      %dma_start3A_84 = tpu.memref_slice %arg11[%add3A_33, %dma_start3A_83] : memref<10240x128xf32, #tpu.memory_space<vmem_shared>> -> memref<80x128xf32, #tpu.memory_space<vmem_shared>>
      tpu.enqueue_dma source(%arg9 : memref<80x128xf32, #tpu.memory_space<vmem>>) target(%dma_start3A_84 : memref<80x128xf32, #tpu.memory_space<vmem_shared>>) target_semaphore(%run_scoped3A : memref<!tpu.dma_semaphore, #tpu.memory_space<semaphore_mem>>)
      %dma_wait3A = arith.constant 0 : i32
      %dma_wait3A_85 = tpu.memref_slice %arg11[%add3A_33, %dma_wait3A] : memref<10240x128xf32, #tpu.memory_space<vmem_shared>> -> memref<80x128xf32, #tpu.memory_space<vmem_shared>>
      %dma_wait3A_86 = arith.constant 0 : i32
      %dma_wait3A_87 = tpu.memref_slice %arg11[%add3A_33, %dma_wait3A_86] : memref<10240x128xf32, #tpu.memory_space<vmem_shared>> -> memref<80x128xf32, #tpu.memory_space<vmem_shared>>
      tpu.wait_dma2 semaphore(%run_scoped3A : memref<!tpu.dma_semaphore, #tpu.memory_space<semaphore_mem>>) src(%arg9 : memref<80x128xf32, #tpu.memory_space<vmem>>) dst(%dma_wait3A_87 : memref<80x128xf32, #tpu.memory_space<vmem_shared>>)
      tpu.yield
    }) : () -> ()
    %mul3A_34 = arith.constant 640 : i32
    %mul3A_35 = arith.muli %arg1, %mul3A_34 : i32
    %add3A_36 = arith.constant 480 : i32
    %add3A_37 = arith.addi %mul3A_35, %add3A_36 : i32
    "tpu.region"() ({
      %run_scoped3A = tpu.sem_alloc : memref<!tpu.dma_semaphore, #tpu.memory_space<semaphore_mem>>
      %dma_start3A = arith.constant 0 : i32
      %dma_start3A_82 = tpu.memref_slice %arg11[%add3A_37, %dma_start3A] : memref<10240x128xf32, #tpu.memory_space<vmem_shared>> -> memref<80x128xf32, #tpu.memory_space<vmem_shared>>
      %dma_start3A_83 = arith.constant 0 : i32
      %dma_start3A_84 = tpu.memref_slice %arg11[%add3A_37, %dma_start3A_83] : memref<10240x128xf32, #tpu.memory_space<vmem_shared>> -> memref<80x128xf32, #tpu.memory_space<vmem_shared>>
      tpu.enqueue_dma source(%arg9 : memref<80x128xf32, #tpu.memory_space<vmem>>) target(%dma_start3A_84 : memref<80x128xf32, #tpu.memory_space<vmem_shared>>) target_semaphore(%run_scoped3A : memref<!tpu.dma_semaphore, #tpu.memory_space<semaphore_mem>>)
      %dma_wait3A = arith.constant 0 : i32
      %dma_wait3A_85 = tpu.memref_slice %arg11[%add3A_37, %dma_wait3A] : memref<10240x128xf32, #tpu.memory_space<vmem_shared>> -> memref<80x128xf32, #tpu.memory_space<vmem_shared>>
      %dma_wait3A_86 = arith.constant 0 : i32
      %dma_wait3A_87 = tpu.memref_slice %arg11[%add3A_37, %dma_wait3A_86] : memref<10240x128xf32, #tpu.memory_space<vmem_shared>> -> memref<80x128xf32, #tpu.memory_space<vmem_shared>>
      tpu.wait_dma2 semaphore(%run_scoped3A : memref<!tpu.dma_semaphore, #tpu.memory_space<semaphore_mem>>) src(%arg9 : memref<80x128xf32, #tpu.memory_space<vmem>>) dst(%dma_wait3A_87 : memref<80x128xf32, #tpu.memory_space<vmem_shared>>)
      tpu.yield
    }) : () -> ()
    %mul3A_38 = arith.constant 640 : i32
    %mul3A_39 = arith.muli %arg1, %mul3A_38 : i32
    %add3A_40 = arith.constant 560 : i32
    %add3A_41 = arith.addi %mul3A_39, %add3A_40 : i32
    "tpu.region"() ({
      %run_scoped3A = tpu.sem_alloc : memref<!tpu.dma_semaphore, #tpu.memory_space<semaphore_mem>>
      %dma_start3A = arith.constant 0 : i32
      %dma_start3A_82 = tpu.memref_slice %arg11[%add3A_41, %dma_start3A] : memref<10240x128xf32, #tpu.memory_space<vmem_shared>> -> memref<80x128xf32, #tpu.memory_space<vmem_shared>>
      %dma_start3A_83 = arith.constant 0 : i32
      %dma_start3A_84 = tpu.memref_slice %arg11[%add3A_41, %dma_start3A_83] : memref<10240x128xf32, #tpu.memory_space<vmem_shared>> -> memref<80x128xf32, #tpu.memory_space<vmem_shared>>
      tpu.enqueue_dma source(%arg9 : memref<80x128xf32, #tpu.memory_space<vmem>>) target(%dma_start3A_84 : memref<80x128xf32, #tpu.memory_space<vmem_shared>>) target_semaphore(%run_scoped3A : memref<!tpu.dma_semaphore, #tpu.memory_space<semaphore_mem>>)
      %dma_wait3A = arith.constant 0 : i32
      %dma_wait3A_85 = tpu.memref_slice %arg11[%add3A_41, %dma_wait3A] : memref<10240x128xf32, #tpu.memory_space<vmem_shared>> -> memref<80x128xf32, #tpu.memory_space<vmem_shared>>
      %dma_wait3A_86 = arith.constant 0 : i32
      %dma_wait3A_87 = tpu.memref_slice %arg11[%add3A_41, %dma_wait3A_86] : memref<10240x128xf32, #tpu.memory_space<vmem_shared>> -> memref<80x128xf32, #tpu.memory_space<vmem_shared>>
      tpu.wait_dma2 semaphore(%run_scoped3A : memref<!tpu.dma_semaphore, #tpu.memory_space<semaphore_mem>>) src(%arg9 : memref<80x128xf32, #tpu.memory_space<vmem>>) dst(%dma_wait3A_87 : memref<80x128xf32, #tpu.memory_space<vmem_shared>>)
      tpu.yield
    }) : () -> ()
    %barrier3A = arith.constant 0 : index
    tpu.barrier barrier_id(%barrier3A)
    %scan3A_42 = arith.constant 0 : i32
    %scan3A_43 = arith.constant 0 : i32
    %scan3A_44 = arith.constant 125 : i32
    %scan3A_45 = arith.addi %scan3A_43, %scan3A_44 : i32
    %scan3A_46 = arith.constant 1 : i32
    %scan3A_47 = scf.for %scan3A_82 = %scan3A_43 to %scan3A_45 step %scan3A_46 iter_args(%scan3A_83 = %scan3A_42) -> (i32)  : i32 {
      %mul3A_84 = arith.constant 80 : i32
      %mul3A_85 = arith.muli %scan3A_82, %mul3A_84 : i32
      %add3A_86 = arith.addi %mul3A_2, %mul3A_85 : i32
      "tpu.region"() ({
        %run_scoped3A = tpu.sem_alloc : memref<!tpu.dma_semaphore, #tpu.memory_space<semaphore_mem>>
        %dma_start3A_99 = tpu.memref_slice %arg3[%add3A_86] : memref<320000xi32, #tpu.memory_space<hbm>> -> memref<80xi32, #tpu.memory_space<hbm>>
        %dma_start3A_100 = tpu.memref_slice %arg3[%add3A_86] : memref<320000xi32, #tpu.memory_space<hbm>> -> memref<80xi32, #tpu.memory_space<hbm>>
        tpu.enqueue_dma source(%dma_start3A_100 : memref<80xi32, #tpu.memory_space<hbm>>) target(%arg7 : memref<80xi32, #tpu.memory_space<vmem>>) target_semaphore(%run_scoped3A : memref<!tpu.dma_semaphore, #tpu.memory_space<semaphore_mem>>)
        %dma_wait3A_101 = tpu.memref_slice %arg3[%add3A_86] : memref<320000xi32, #tpu.memory_space<hbm>> -> memref<80xi32, #tpu.memory_space<hbm>>
        %dma_wait3A_102 = tpu.memref_slice %arg3[%add3A_86] : memref<320000xi32, #tpu.memory_space<hbm>> -> memref<80xi32, #tpu.memory_space<hbm>>
        tpu.wait_dma2 semaphore(%run_scoped3A : memref<!tpu.dma_semaphore, #tpu.memory_space<semaphore_mem>>) src(%dma_wait3A_102 : memref<80xi32, #tpu.memory_space<hbm>>) dst(%arg7 : memref<80xi32, #tpu.memory_space<vmem>>)
        tpu.yield
      }) : () -> ()
      "tpu.region"() ({
        %run_scoped3A = tpu.sem_alloc : memref<!tpu.dma_semaphore, #tpu.memory_space<semaphore_mem>>
        %dma_start3A_99 = tpu.memref_slice %arg4[%add3A_86] : memref<320000xi32, #tpu.memory_space<hbm>> -> memref<80xi32, #tpu.memory_space<hbm>>
        %dma_start3A_100 = tpu.memref_slice %arg4[%add3A_86] : memref<320000xi32, #tpu.memory_space<hbm>> -> memref<80xi32, #tpu.memory_space<hbm>>
        tpu.enqueue_dma source(%dma_start3A_100 : memref<80xi32, #tpu.memory_space<hbm>>) target(%arg8 : memref<80xi32, #tpu.memory_space<vmem>>) target_semaphore(%run_scoped3A : memref<!tpu.dma_semaphore, #tpu.memory_space<semaphore_mem>>)
        %dma_wait3A_101 = tpu.memref_slice %arg4[%add3A_86] : memref<320000xi32, #tpu.memory_space<hbm>> -> memref<80xi32, #tpu.memory_space<hbm>>
        %dma_wait3A_102 = tpu.memref_slice %arg4[%add3A_86] : memref<320000xi32, #tpu.memory_space<hbm>> -> memref<80xi32, #tpu.memory_space<hbm>>
        tpu.wait_dma2 semaphore(%run_scoped3A : memref<!tpu.dma_semaphore, #tpu.memory_space<semaphore_mem>>) src(%dma_wait3A_102 : memref<80xi32, #tpu.memory_space<hbm>>) dst(%arg8 : memref<80xi32, #tpu.memory_space<vmem>>)
        tpu.yield
      }) : () -> ()
      %dma_start3A = arith.constant 0 : i32
      %dma_start3A_87 = arith.constant 0 : i32
      %dma_start3A_88 = tpu.memref_slice %arg2[%dma_start3A, %dma_start3A_87] : memref<10000x128xf32, #tpu.memory_space<hbm>> -> memref<10000x128xf32, #tpu.memory_space<hbm>>
      tpu.enqueue_indirect_dma source(%dma_start3A_88 : memref<10000x128xf32, #tpu.memory_space<hbm>>) target(%arg9 : memref<80x128xf32, #tpu.memory_space<vmem>>) offsets(%arg7 : memref<80xi32, #tpu.memory_space<vmem>>) semaphore(%arg12 : memref<!tpu.dma_semaphore, #tpu.memory_space<semaphore_mem>>)
      "tpu.region"() ({
        %run_scoped3A = tpu.sem_alloc : memref<!tpu.dma_semaphore, #tpu.memory_space<semaphore_mem>>
        %dma_start3A_99 = arith.constant 0 : i32
        %dma_start3A_100 = tpu.memref_slice %arg5[%add3A_86, %dma_start3A_99] : memref<320000x128xf32, #tpu.memory_space<hbm>> -> memref<80x128xf32, #tpu.memory_space<hbm>>
        %dma_start3A_101 = arith.constant 0 : i32
        %dma_start3A_102 = tpu.memref_slice %arg5[%add3A_86, %dma_start3A_101] : memref<320000x128xf32, #tpu.memory_space<hbm>> -> memref<80x128xf32, #tpu.memory_space<hbm>>
        tpu.enqueue_dma source(%dma_start3A_102 : memref<80x128xf32, #tpu.memory_space<hbm>>) target(%arg10 : memref<80x128xf32, #tpu.memory_space<vmem>>) target_semaphore(%run_scoped3A : memref<!tpu.dma_semaphore, #tpu.memory_space<semaphore_mem>>)
        %dma_wait3A_103 = arith.constant 0 : i32
        %dma_wait3A_104 = tpu.memref_slice %arg5[%add3A_86, %dma_wait3A_103] : memref<320000x128xf32, #tpu.memory_space<hbm>> -> memref<80x128xf32, #tpu.memory_space<hbm>>
        %dma_wait3A_105 = arith.constant 0 : i32
        %dma_wait3A_106 = tpu.memref_slice %arg5[%add3A_86, %dma_wait3A_105] : memref<320000x128xf32, #tpu.memory_space<hbm>> -> memref<80x128xf32, #tpu.memory_space<hbm>>
        tpu.wait_dma2 semaphore(%run_scoped3A : memref<!tpu.dma_semaphore, #tpu.memory_space<semaphore_mem>>) src(%dma_wait3A_106 : memref<80x128xf32, #tpu.memory_space<hbm>>) dst(%arg10 : memref<80x128xf32, #tpu.memory_space<vmem>>)
        tpu.yield
      }) : () -> ()
      %dma_wait3A = arith.constant 0 : i32
      %dma_wait3A_89 = arith.constant 0 : i32
      %dma_wait3A_90 = tpu.memref_slice %arg2[%dma_wait3A, %dma_wait3A_89] : memref<10000x128xf32, #tpu.memory_space<hbm>> -> memref<10000x128xf32, #tpu.memory_space<hbm>>
      tpu.wait_indirect_dma semaphore(%arg12 : memref<!tpu.dma_semaphore, #tpu.memory_space<semaphore_mem>>) src(%dma_wait3A_90 : memref<10000x128xf32, #tpu.memory_space<hbm>>) dst(%arg9 : memref<80x128xf32, #tpu.memory_space<vmem>>)
      %scan3A_91 = arith.constant 0 : i32
      %scan3A_92 = arith.constant 0 : i32
      %scan3A_93 = arith.constant 80 : i32
      %scan3A_94 = arith.addi %scan3A_92, %scan3A_93 : i32
      %scan3A_95 = arith.constant 1 : i32
      %scan3A_96 = scf.for %scan3A_99 = %scan3A_92 to %scan3A_94 step %scan3A_95 iter_args(%scan3A_100 = %scan3A_91) -> (i32)  : i32 {
        %get3A = arith.index_cast %scan3A_99 : i32 to index
        %get3A_101 = arith.constant 0 : index
        %get3A_102 = tpu.vector_load %arg9[%get3A, %get3A_101] {strides = array<i32>} : memref<80x128xf32, #tpu.memory_space<vmem>>, vector<1x16xf32>,
        %get3A_103 = vector.shape_cast %get3A_102 : vector<1x16xf32> to vector<16xf32>
        %get3A_104 = arith.index_cast %scan3A_99 : i32 to index
        %get3A_105 = arith.constant 0 : index
        %get3A_106 = tpu.vector_load %arg10[%get3A_104, %get3A_105] {strides = array<i32>} : memref<80x128xf32, #tpu.memory_space<vmem>>, vector<1x16xf32>,
        %get3A_107 = vector.shape_cast %get3A_106 : vector<1x16xf32> to vector<16xf32>
        %mul3A_108 = arith.mulf %get3A_103, %get3A_107 : vector<16xf32>
        %swap3A = arith.index_cast %scan3A_99 : i32 to index
        %swap3A_109 = arith.constant 0 : index
        %swap3A_110 = tpu.vector_load %arg9[%swap3A, %swap3A_109] {strides = array<i32>} : memref<80x128xf32, #tpu.memory_space<vmem>>, vector<1x16xf32>,
        %swap3A_111 = vector.shape_cast %swap3A_110 : vector<1x16xf32> to vector<16xf32>
        %swap3A_112 = vector.shape_cast %mul3A_108 : vector<16xf32> to vector<1x16xf32>
        tpu.vector_store %arg9[%swap3A, %swap3A_109], %swap3A_112 {strides = array<i32>} : memref<80x128xf32, #tpu.memory_space<vmem>>, vector<1x16xf32>,
        %get3A_113 = arith.index_cast %scan3A_99 : i32 to index
        %get3A_114 = arith.constant 16 : index
        %get3A_115 = tpu.vector_load %arg9[%get3A_113, %get3A_114] {strides = array<i32>} : memref<80x128xf32, #tpu.memory_space<vmem>>, vector<1x16xf32>,
        %get3A_116 = vector.shape_cast %get3A_115 : vector<1x16xf32> to vector<16xf32>
        %get3A_117 = arith.index_cast %scan3A_99 : i32 to index
        %get3A_118 = arith.constant 16 : index
        %get3A_119 = tpu.vector_load %arg10[%get3A_117, %get3A_118] {strides = array<i32>} : memref<80x128xf32, #tpu.memory_space<vmem>>, vector<1x16xf32>,
        %get3A_120 = vector.shape_cast %get3A_119 : vector<1x16xf32> to vector<16xf32>
        %mul3A_121 = arith.mulf %get3A_116, %get3A_120 : vector<16xf32>
        %swap3A_122 = arith.index_cast %scan3A_99 : i32 to index
        %swap3A_123 = arith.constant 16 : index
        %swap3A_124 = tpu.vector_load %arg9[%swap3A_122, %swap3A_123] {strides = array<i32>} : memref<80x128xf32, #tpu.memory_space<vmem>>, vector<1x16xf32>,
        %swap3A_125 = vector.shape_cast %swap3A_124 : vector<1x16xf32> to vector<16xf32>
        %swap3A_126 = vector.shape_cast %mul3A_121 : vector<16xf32> to vector<1x16xf32>
        tpu.vector_store %arg9[%swap3A_122, %swap3A_123], %swap3A_126 {strides = array<i32>} : memref<80x128xf32, #tpu.memory_space<vmem>>, vector<1x16xf32>,
        %get3A_127 = arith.index_cast %scan3A_99 : i32 to index
        %get3A_128 = arith.constant 32 : index
        %get3A_129 = tpu.vector_load %arg9[%get3A_127, %get3A_128] {strides = array<i32>} : memref<80x128xf32, #tpu.memory_space<vmem>>, vector<1x16xf32>,
        %get3A_130 = vector.shape_cast %get3A_129 : vector<1x16xf32> to vector<16xf32>
        %get3A_131 = arith.index_cast %scan3A_99 : i32 to index
        %get3A_132 = arith.constant 32 : index
        %get3A_133 = tpu.vector_load %arg10[%get3A_131, %get3A_132] {strides = array<i32>} : memref<80x128xf32, #tpu.memory_space<vmem>>, vector<1x16xf32>,
        %get3A_134 = vector.shape_cast %get3A_133 : vector<1x16xf32> to vector<16xf32>
        %mul3A_135 = arith.mulf %get3A_130, %get3A_134 : vector<16xf32>
        %swap3A_136 = arith.index_cast %scan3A_99 : i32 to index
        %swap3A_137 = arith.constant 32 : index
        %swap3A_138 = tpu.vector_load %arg9[%swap3A_136, %swap3A_137] {strides = array<i32>} : memref<80x128xf32, #tpu.memory_space<vmem>>, vector<1x16xf32>,
        %swap3A_139 = vector.shape_cast %swap3A_138 : vector<1x16xf32> to vector<16xf32>
        %swap3A_140 = vector.shape_cast %mul3A_135 : vector<16xf32> to vector<1x16xf32>
        tpu.vector_store %arg9[%swap3A_136, %swap3A_137], %swap3A_140 {strides = array<i32>} : memref<80x128xf32, #tpu.memory_space<vmem>>, vector<1x16xf32>,
        %get3A_141 = arith.index_cast %scan3A_99 : i32 to index
        %get3A_142 = arith.constant 48 : index
        %get3A_143 = tpu.vector_load %arg9[%get3A_141, %get3A_142] {strides = array<i32>} : memref<80x128xf32, #tpu.memory_space<vmem>>, vector<1x16xf32>,
        %get3A_144 = vector.shape_cast %get3A_143 : vector<1x16xf32> to vector<16xf32>
        %get3A_145 = arith.index_cast %scan3A_99 : i32 to index
        %get3A_146 = arith.constant 48 : index
        %get3A_147 = tpu.vector_load %arg10[%get3A_145, %get3A_146] {strides = array<i32>} : memref<80x128xf32, #tpu.memory_space<vmem>>, vector<1x16xf32>,
        %get3A_148 = vector.shape_cast %get3A_147 : vector<1x16xf32> to vector<16xf32>
        %mul3A_149 = arith.mulf %get3A_144, %get3A_148 : vector<16xf32>
        %swap3A_150 = arith.index_cast %scan3A_99 : i32 to index
        %swap3A_151 = arith.constant 48 : index
        %swap3A_152 = tpu.vector_load %arg9[%swap3A_150, %swap3A_151] {strides = array<i32>} : memref<80x128xf32, #tpu.memory_space<vmem>>, vector<1x16xf32>,
        %swap3A_153 = vector.shape_cast %swap3A_152 : vector<1x16xf32> to vector<16xf32>
        %swap3A_154 = vector.shape_cast %mul3A_149 : vector<16xf32> to vector<1x16xf32>
        tpu.vector_store %arg9[%swap3A_150, %swap3A_151], %swap3A_154 {strides = array<i32>} : memref<80x128xf32, #tpu.memory_space<vmem>>, vector<1x16xf32>,
        %get3A_155 = arith.index_cast %scan3A_99 : i32 to index
        %get3A_156 = arith.constant 64 : index
        %get3A_157 = tpu.vector_load %arg9[%get3A_155, %get3A_156] {strides = array<i32>} : memref<80x128xf32, #tpu.memory_space<vmem>>, vector<1x16xf32>,
        %get3A_158 = vector.shape_cast %get3A_157 : vector<1x16xf32> to vector<16xf32>
        %get3A_159 = arith.index_cast %scan3A_99 : i32 to index
        %get3A_160 = arith.constant 64 : index
        %get3A_161 = tpu.vector_load %arg10[%get3A_159, %get3A_160] {strides = array<i32>} : memref<80x128xf32, #tpu.memory_space<vmem>>, vector<1x16xf32>,
        %get3A_162 = vector.shape_cast %get3A_161 : vector<1x16xf32> to vector<16xf32>
        %mul3A_163 = arith.mulf %get3A_158, %get3A_162 : vector<16xf32>
        %swap3A_164 = arith.index_cast %scan3A_99 : i32 to index
        %swap3A_165 = arith.constant 64 : index
        %swap3A_166 = tpu.vector_load %arg9[%swap3A_164, %swap3A_165] {strides = array<i32>} : memref<80x128xf32, #tpu.memory_space<vmem>>, vector<1x16xf32>,
        %swap3A_167 = vector.shape_cast %swap3A_166 : vector<1x16xf32> to vector<16xf32>
        %swap3A_168 = vector.shape_cast %mul3A_163 : vector<16xf32> to vector<1x16xf32>
        tpu.vector_store %arg9[%swap3A_164, %swap3A_165], %swap3A_168 {strides = array<i32>} : memref<80x128xf32, #tpu.memory_space<vmem>>, vector<1x16xf32>,
        %get3A_169 = arith.index_cast %scan3A_99 : i32 to index
        %get3A_170 = arith.constant 80 : index
        %get3A_171 = tpu.vector_load %arg9[%get3A_169, %get3A_170] {strides = array<i32>} : memref<80x128xf32, #tpu.memory_space<vmem>>, vector<1x16xf32>,
        %get3A_172 = vector.shape_cast %get3A_171 : vector<1x16xf32> to vector<16xf32>
        %get3A_173 = arith.index_cast %scan3A_99 : i32 to index
        %get3A_174 = arith.constant 80 : index
        %get3A_175 = tpu.vector_load %arg10[%get3A_173, %get3A_174] {strides = array<i32>} : memref<80x128xf32, #tpu.memory_space<vmem>>, vector<1x16xf32>,
        %get3A_176 = vector.shape_cast %get3A_175 : vector<1x16xf32> to vector<16xf32>
        %mul3A_177 = arith.mulf %get3A_172, %get3A_176 : vector<16xf32>
        %swap3A_178 = arith.index_cast %scan3A_99 : i32 to index
        %swap3A_179 = arith.constant 80 : index
        %swap3A_180 = tpu.vector_load %arg9[%swap3A_178, %swap3A_179] {strides = array<i32>} : memref<80x128xf32, #tpu.memory_space<vmem>>, vector<1x16xf32>,
        %swap3A_181 = vector.shape_cast %swap3A_180 : vector<1x16xf32> to vector<16xf32>
        %swap3A_182 = vector.shape_cast %mul3A_177 : vector<16xf32> to vector<1x16xf32>
        tpu.vector_store %arg9[%swap3A_178, %swap3A_179], %swap3A_182 {strides = array<i32>} : memref<80x128xf32, #tpu.memory_space<vmem>>, vector<1x16xf32>,
        %get3A_183 = arith.index_cast %scan3A_99 : i32 to index
        %get3A_184 = arith.constant 96 : index
        %get3A_185 = tpu.vector_load %arg9[%get3A_183, %get3A_184] {strides = array<i32>} : memref<80x128xf32, #tpu.memory_space<vmem>>, vector<1x16xf32>,
        %get3A_186 = vector.shape_cast %get3A_185 : vector<1x16xf32> to vector<16xf32>
        %get3A_187 = arith.index_cast %scan3A_99 : i32 to index
        %get3A_188 = arith.constant 96 : index
        %get3A_189 = tpu.vector_load %arg10[%get3A_187, %get3A_188] {strides = array<i32>} : memref<80x128xf32, #tpu.memory_space<vmem>>, vector<1x16xf32>,
        %get3A_190 = vector.shape_cast %get3A_189 : vector<1x16xf32> to vector<16xf32>
        %mul3A_191 = arith.mulf %get3A_186, %get3A_190 : vector<16xf32>
        %swap3A_192 = arith.index_cast %scan3A_99 : i32 to index
        %swap3A_193 = arith.constant 96 : index
        %swap3A_194 = tpu.vector_load %arg9[%swap3A_192, %swap3A_193] {strides = array<i32>} : memref<80x128xf32, #tpu.memory_space<vmem>>, vector<1x16xf32>,
        %swap3A_195 = vector.shape_cast %swap3A_194 : vector<1x16xf32> to vector<16xf32>
        %swap3A_196 = vector.shape_cast %mul3A_191 : vector<16xf32> to vector<1x16xf32>
        tpu.vector_store %arg9[%swap3A_192, %swap3A_193], %swap3A_196 {strides = array<i32>} : memref<80x128xf32, #tpu.memory_space<vmem>>, vector<1x16xf32>,
        %get3A_197 = arith.index_cast %scan3A_99 : i32 to index
        %get3A_198 = arith.constant 112 : index
        %get3A_199 = tpu.vector_load %arg9[%get3A_197, %get3A_198] {strides = array<i32>} : memref<80x128xf32, #tpu.memory_space<vmem>>, vector<1x16xf32>,
        %get3A_200 = vector.shape_cast %get3A_199 : vector<1x16xf32> to vector<16xf32>
        %get3A_201 = arith.index_cast %scan3A_99 : i32 to index
        %get3A_202 = arith.constant 112 : index
        %get3A_203 = tpu.vector_load %arg10[%get3A_201, %get3A_202] {strides = array<i32>} : memref<80x128xf32, #tpu.memory_space<vmem>>, vector<1x16xf32>,
        %get3A_204 = vector.shape_cast %get3A_203 : vector<1x16xf32> to vector<16xf32>
        %mul3A_205 = arith.mulf %get3A_200, %get3A_204 : vector<16xf32>
        %swap3A_206 = arith.index_cast %scan3A_99 : i32 to index
        %swap3A_207 = arith.constant 112 : index
        %swap3A_208 = tpu.vector_load %arg9[%swap3A_206, %swap3A_207] {strides = array<i32>} : memref<80x128xf32, #tpu.memory_space<vmem>>, vector<1x16xf32>,
        %swap3A_209 = vector.shape_cast %swap3A_208 : vector<1x16xf32> to vector<16xf32>
        %swap3A_210 = vector.shape_cast %mul3A_205 : vector<16xf32> to vector<1x16xf32>
        tpu.vector_store %arg9[%swap3A_206, %swap3A_207], %swap3A_210 {strides = array<i32>} : memref<80x128xf32, #tpu.memory_space<vmem>>, vector<1x16xf32>,
        %scan3A_211 = arith.constant 0 : i32
        scf.yield %scan3A_211 : i32
      }
      %scan3A_97 = arith.constant 80 : i32
      "tpu.region"() ({
        %run_scoped3A = tpu.sem_alloc : memref<!tpu.dma_semaphore, #tpu.memory_space<semaphore_mem>>
        %dma_start3A_99 = arith.constant 0 : i32
        %dma_start3A_100 = arith.constant 0 : i32
        %dma_start3A_101 = tpu.memref_slice %arg11[%dma_start3A_99, %dma_start3A_100] : memref<10240x128xf32, #tpu.memory_space<vmem_shared>> -> memref<10240x128xf32, #tpu.memory_space<vmem_shared>>
        tpu.enqueue_indirect_dma source(%arg9 : memref<80x128xf32, #tpu.memory_space<vmem>>) target(%dma_start3A_101 : memref<10240x128xf32, #tpu.memory_space<vmem_shared>>) offsets(%arg8 : memref<80xi32, #tpu.memory_space<vmem>>) semaphore(%run_scoped3A : memref<!tpu.dma_semaphore, #tpu.memory_space<semaphore_mem>>) {add = true}
        %dma_wait3A_102 = arith.constant 0 : i32
        %dma_wait3A_103 = arith.constant 0 : i32
        %dma_wait3A_104 = tpu.memref_slice %arg11[%dma_wait3A_102, %dma_wait3A_103] : memref<10240x128xf32, #tpu.memory_space<vmem_shared>> -> memref<10240x128xf32, #tpu.memory_space<vmem_shared>>
        tpu.wait_indirect_dma semaphore(%run_scoped3A : memref<!tpu.dma_semaphore, #tpu.memory_space<semaphore_mem>>) src(%arg9 : memref<80x128xf32, #tpu.memory_space<vmem>>) dst(%dma_wait3A_104 : memref<10240x128xf32, #tpu.memory_space<vmem_shared>>)
        tpu.yield
      }) : () -> ()
      %scan3A_98 = arith.constant 0 : i32
      scf.yield %scan3A_98 : i32
    }
    %scan3A_48 = arith.constant 125 : i32
    %barrier3A_49 = arith.constant 0 : index
    tpu.barrier barrier_id(%barrier3A_49)
    %mul3A_50 = arith.constant 640 : i32
    %mul3A_51 = arith.muli %arg1, %mul3A_50 : i32
    %add3A_52 = arith.constant 0 : i32
    %add3A_53 = arith.addi %mul3A_51, %add3A_52 : i32
    "tpu.region"() ({
      %run_scoped3A = tpu.sem_alloc : memref<!tpu.dma_semaphore, #tpu.memory_space<semaphore_mem>>
      %dma_start3A = arith.constant 0 : i32
      %dma_start3A_82 = tpu.memref_slice %arg6[%arg0, %add3A_53, %dma_start3A] : memref<2x10240x128xf32, #tpu.memory_space<hbm>> -> memref<1x80x128xf32, #tpu.memory_space<hbm>>
      %dma_start3A_83 = tpu.memref_squeeze %dma_start3A_82 : memref<1x80x128xf32, #tpu.memory_space<hbm>> -> memref<80x128xf32, #tpu.memory_space<hbm>>
      %dma_start3A_84 = arith.constant 0 : i32
      %dma_start3A_85 = tpu.memref_slice %arg11[%add3A_53, %dma_start3A_84] : memref<10240x128xf32, #tpu.memory_space<vmem_shared>> -> memref<80x128xf32, #tpu.memory_space<vmem_shared>>
      tpu.enqueue_dma source(%dma_start3A_85 : memref<80x128xf32, #tpu.memory_space<vmem_shared>>) target(%dma_start3A_83 : memref<80x128xf32, #tpu.memory_space<hbm>>) target_semaphore(%run_scoped3A : memref<!tpu.dma_semaphore, #tpu.memory_space<semaphore_mem>>)
      %dma_wait3A = arith.constant 0 : i32
      %dma_wait3A_86 = tpu.memref_slice %arg6[%arg0, %add3A_53, %dma_wait3A] : memref<2x10240x128xf32, #tpu.memory_space<hbm>> -> memref<1x80x128xf32, #tpu.memory_space<hbm>>
      %dma_wait3A_87 = tpu.memref_squeeze %dma_wait3A_86 : memref<1x80x128xf32, #tpu.memory_space<hbm>> -> memref<80x128xf32, #tpu.memory_space<hbm>>
      %dma_wait3A_88 = arith.constant 0 : i32
      %dma_wait3A_89 = tpu.memref_slice %arg11[%add3A_53, %dma_wait3A_88] : memref<10240x128xf32, #tpu.memory_space<vmem_shared>> -> memref<80x128xf32, #tpu.memory_space<vmem_shared>>
      tpu.wait_dma2 semaphore(%run_scoped3A : memref<!tpu.dma_semaphore, #tpu.memory_space<semaphore_mem>>) src(%dma_wait3A_89 : memref<80x128xf32, #tpu.memory_space<vmem_shared>>) dst(%dma_wait3A_87 : memref<80x128xf32, #tpu.memory_space<hbm>>)
      tpu.yield
    }) : () -> ()
    %mul3A_54 = arith.constant 640 : i32
    %mul3A_55 = arith.muli %arg1, %mul3A_54 : i32
    %add3A_56 = arith.constant 80 : i32
    %add3A_57 = arith.addi %mul3A_55, %add3A_56 : i32
    "tpu.region"() ({
      %run_scoped3A = tpu.sem_alloc : memref<!tpu.dma_semaphore, #tpu.memory_space<semaphore_mem>>
      %dma_start3A = arith.constant 0 : i32
      %dma_start3A_82 = tpu.memref_slice %arg6[%arg0, %add3A_57, %dma_start3A] : memref<2x10240x128xf32, #tpu.memory_space<hbm>> -> memref<1x80x128xf32, #tpu.memory_space<hbm>>
      %dma_start3A_83 = tpu.memref_squeeze %dma_start3A_82 : memref<1x80x128xf32, #tpu.memory_space<hbm>> -> memref<80x128xf32, #tpu.memory_space<hbm>>
      %dma_start3A_84 = arith.constant 0 : i32
      %dma_start3A_85 = tpu.memref_slice %arg11[%add3A_57, %dma_start3A_84] : memref<10240x128xf32, #tpu.memory_space<vmem_shared>> -> memref<80x128xf32, #tpu.memory_space<vmem_shared>>
      tpu.enqueue_dma source(%dma_start3A_85 : memref<80x128xf32, #tpu.memory_space<vmem_shared>>) target(%dma_start3A_83 : memref<80x128xf32, #tpu.memory_space<hbm>>) target_semaphore(%run_scoped3A : memref<!tpu.dma_semaphore, #tpu.memory_space<semaphore_mem>>)
      %dma_wait3A = arith.constant 0 : i32
      %dma_wait3A_86 = tpu.memref_slice %arg6[%arg0, %add3A_57, %dma_wait3A] : memref<2x10240x128xf32, #tpu.memory_space<hbm>> -> memref<1x80x128xf32, #tpu.memory_space<hbm>>
      %dma_wait3A_87 = tpu.memref_squeeze %dma_wait3A_86 : memref<1x80x128xf32, #tpu.memory_space<hbm>> -> memref<80x128xf32, #tpu.memory_space<hbm>>
      %dma_wait3A_88 = arith.constant 0 : i32
      %dma_wait3A_89 = tpu.memref_slice %arg11[%add3A_57, %dma_wait3A_88] : memref<10240x128xf32, #tpu.memory_space<vmem_shared>> -> memref<80x128xf32, #tpu.memory_space<vmem_shared>>
      tpu.wait_dma2 semaphore(%run_scoped3A : memref<!tpu.dma_semaphore, #tpu.memory_space<semaphore_mem>>) src(%dma_wait3A_89 : memref<80x128xf32, #tpu.memory_space<vmem_shared>>) dst(%dma_wait3A_87 : memref<80x128xf32, #tpu.memory_space<hbm>>)
      tpu.yield
    }) : () -> ()
    %mul3A_58 = arith.constant 640 : i32
    %mul3A_59 = arith.muli %arg1, %mul3A_58 : i32
    %add3A_60 = arith.constant 160 : i32
    %add3A_61 = arith.addi %mul3A_59, %add3A_60 : i32
    "tpu.region"() ({
      %run_scoped3A = tpu.sem_alloc : memref<!tpu.dma_semaphore, #tpu.memory_space<semaphore_mem>>
      %dma_start3A = arith.constant 0 : i32
      %dma_start3A_82 = tpu.memref_slice %arg6[%arg0, %add3A_61, %dma_start3A] : memref<2x10240x128xf32, #tpu.memory_space<hbm>> -> memref<1x80x128xf32, #tpu.memory_space<hbm>>
      %dma_start3A_83 = tpu.memref_squeeze %dma_start3A_82 : memref<1x80x128xf32, #tpu.memory_space<hbm>> -> memref<80x128xf32, #tpu.memory_space<hbm>>
      %dma_start3A_84 = arith.constant 0 : i32
      %dma_start3A_85 = tpu.memref_slice %arg11[%add3A_61, %dma_start3A_84] : memref<10240x128xf32, #tpu.memory_space<vmem_shared>> -> memref<80x128xf32, #tpu.memory_space<vmem_shared>>
      tpu.enqueue_dma source(%dma_start3A_85 : memref<80x128xf32, #tpu.memory_space<vmem_shared>>) target(%dma_start3A_83 : memref<80x128xf32, #tpu.memory_space<hbm>>) target_semaphore(%run_scoped3A : memref<!tpu.dma_semaphore, #tpu.memory_space<semaphore_mem>>)
      %dma_wait3A = arith.constant 0 : i32
      %dma_wait3A_86 = tpu.memref_slice %arg6[%arg0, %add3A_61, %dma_wait3A] : memref<2x10240x128xf32, #tpu.memory_space<hbm>> -> memref<1x80x128xf32, #tpu.memory_space<hbm>>
      %dma_wait3A_87 = tpu.memref_squeeze %dma_wait3A_86 : memref<1x80x128xf32, #tpu.memory_space<hbm>> -> memref<80x128xf32, #tpu.memory_space<hbm>>
      %dma_wait3A_88 = arith.constant 0 : i32
      %dma_wait3A_89 = tpu.memref_slice %arg11[%add3A_61, %dma_wait3A_88] : memref<10240x128xf32, #tpu.memory_space<vmem_shared>> -> memref<80x128xf32, #tpu.memory_space<vmem_shared>>
      tpu.wait_dma2 semaphore(%run_scoped3A : memref<!tpu.dma_semaphore, #tpu.memory_space<semaphore_mem>>) src(%dma_wait3A_89 : memref<80x128xf32, #tpu.memory_space<vmem_shared>>) dst(%dma_wait3A_87 : memref<80x128xf32, #tpu.memory_space<hbm>>)
      tpu.yield
    }) : () -> ()
    %mul3A_62 = arith.constant 640 : i32
    %mul3A_63 = arith.muli %arg1, %mul3A_62 : i32
    %add3A_64 = arith.constant 240 : i32
    %add3A_65 = arith.addi %mul3A_63, %add3A_64 : i32
    "tpu.region"() ({
      %run_scoped3A = tpu.sem_alloc : memref<!tpu.dma_semaphore, #tpu.memory_space<semaphore_mem>>
      %dma_start3A = arith.constant 0 : i32
      %dma_start3A_82 = tpu.memref_slice %arg6[%arg0, %add3A_65, %dma_start3A] : memref<2x10240x128xf32, #tpu.memory_space<hbm>> -> memref<1x80x128xf32, #tpu.memory_space<hbm>>
      %dma_start3A_83 = tpu.memref_squeeze %dma_start3A_82 : memref<1x80x128xf32, #tpu.memory_space<hbm>> -> memref<80x128xf32, #tpu.memory_space<hbm>>
      %dma_start3A_84 = arith.constant 0 : i32
      %dma_start3A_85 = tpu.memref_slice %arg11[%add3A_65, %dma_start3A_84] : memref<10240x128xf32, #tpu.memory_space<vmem_shared>> -> memref<80x128xf32, #tpu.memory_space<vmem_shared>>
      tpu.enqueue_dma source(%dma_start3A_85 : memref<80x128xf32, #tpu.memory_space<vmem_shared>>) target(%dma_start3A_83 : memref<80x128xf32, #tpu.memory_space<hbm>>) target_semaphore(%run_scoped3A : memref<!tpu.dma_semaphore, #tpu.memory_space<semaphore_mem>>)
      %dma_wait3A = arith.constant 0 : i32
      %dma_wait3A_86 = tpu.memref_slice %arg6[%arg0, %add3A_65, %dma_wait3A] : memref<2x10240x128xf32, #tpu.memory_space<hbm>> -> memref<1x80x128xf32, #tpu.memory_space<hbm>>
      %dma_wait3A_87 = tpu.memref_squeeze %dma_wait3A_86 : memref<1x80x128xf32, #tpu.memory_space<hbm>> -> memref<80x128xf32, #tpu.memory_space<hbm>>
      %dma_wait3A_88 = arith.constant 0 : i32
      %dma_wait3A_89 = tpu.memref_slice %arg11[%add3A_65, %dma_wait3A_88] : memref<10240x128xf32, #tpu.memory_space<vmem_shared>> -> memref<80x128xf32, #tpu.memory_space<vmem_shared>>
      tpu.wait_dma2 semaphore(%run_scoped3A : memref<!tpu.dma_semaphore, #tpu.memory_space<semaphore_mem>>) src(%dma_wait3A_89 : memref<80x128xf32, #tpu.memory_space<vmem_shared>>) dst(%dma_wait3A_87 : memref<80x128xf32, #tpu.memory_space<hbm>>)
      tpu.yield
    }) : () -> ()
    %mul3A_66 = arith.constant 640 : i32
    %mul3A_67 = arith.muli %arg1, %mul3A_66 : i32
    %add3A_68 = arith.constant 320 : i32
    %add3A_69 = arith.addi %mul3A_67, %add3A_68 : i32
    "tpu.region"() ({
      %run_scoped3A = tpu.sem_alloc : memref<!tpu.dma_semaphore, #tpu.memory_space<semaphore_mem>>
      %dma_start3A = arith.constant 0 : i32
      %dma_start3A_82 = tpu.memref_slice %arg6[%arg0, %add3A_69, %dma_start3A] : memref<2x10240x128xf32, #tpu.memory_space<hbm>> -> memref<1x80x128xf32, #tpu.memory_space<hbm>>
      %dma_start3A_83 = tpu.memref_squeeze %dma_start3A_82 : memref<1x80x128xf32, #tpu.memory_space<hbm>> -> memref<80x128xf32, #tpu.memory_space<hbm>>
      %dma_start3A_84 = arith.constant 0 : i32
      %dma_start3A_85 = tpu.memref_slice %arg11[%add3A_69, %dma_start3A_84] : memref<10240x128xf32, #tpu.memory_space<vmem_shared>> -> memref<80x128xf32, #tpu.memory_space<vmem_shared>>
      tpu.enqueue_dma source(%dma_start3A_85 : memref<80x128xf32, #tpu.memory_space<vmem_shared>>) target(%dma_start3A_83 : memref<80x128xf32, #tpu.memory_space<hbm>>) target_semaphore(%run_scoped3A : memref<!tpu.dma_semaphore, #tpu.memory_space<semaphore_mem>>)
      %dma_wait3A = arith.constant 0 : i32
      %dma_wait3A_86 = tpu.memref_slice %arg6[%arg0, %add3A_69, %dma_wait3A] : memref<2x10240x128xf32, #tpu.memory_space<hbm>> -> memref<1x80x128xf32, #tpu.memory_space<hbm>>
      %dma_wait3A_87 = tpu.memref_squeeze %dma_wait3A_86 : memref<1x80x128xf32, #tpu.memory_space<hbm>> -> memref<80x128xf32, #tpu.memory_space<hbm>>
      %dma_wait3A_88 = arith.constant 0 : i32
      %dma_wait3A_89 = tpu.memref_slice %arg11[%add3A_69, %dma_wait3A_88] : memref<10240x128xf32, #tpu.memory_space<vmem_shared>> -> memref<80x128xf32, #tpu.memory_space<vmem_shared>>
      tpu.wait_dma2 semaphore(%run_scoped3A : memref<!tpu.dma_semaphore, #tpu.memory_space<semaphore_mem>>) src(%dma_wait3A_89 : memref<80x128xf32, #tpu.memory_space<vmem_shared>>) dst(%dma_wait3A_87 : memref<80x128xf32, #tpu.memory_space<hbm>>)
      tpu.yield
    }) : () -> ()
    %mul3A_70 = arith.constant 640 : i32
    %mul3A_71 = arith.muli %arg1, %mul3A_70 : i32
    %add3A_72 = arith.constant 400 : i32
    %add3A_73 = arith.addi %mul3A_71, %add3A_72 : i32
    "tpu.region"() ({
      %run_scoped3A = tpu.sem_alloc : memref<!tpu.dma_semaphore, #tpu.memory_space<semaphore_mem>>
      %dma_start3A = arith.constant 0 : i32
      %dma_start3A_82 = tpu.memref_slice %arg6[%arg0, %add3A_73, %dma_start3A] : memref<2x10240x128xf32, #tpu.memory_space<hbm>> -> memref<1x80x128xf32, #tpu.memory_space<hbm>>
      %dma_start3A_83 = tpu.memref_squeeze %dma_start3A_82 : memref<1x80x128xf32, #tpu.memory_space<hbm>> -> memref<80x128xf32, #tpu.memory_space<hbm>>
      %dma_start3A_84 = arith.constant 0 : i32
      %dma_start3A_85 = tpu.memref_slice %arg11[%add3A_73, %dma_start3A_84] : memref<10240x128xf32, #tpu.memory_space<vmem_shared>> -> memref<80x128xf32, #tpu.memory_space<vmem_shared>>
      tpu.enqueue_dma source(%dma_start3A_85 : memref<80x128xf32, #tpu.memory_space<vmem_shared>>) target(%dma_start3A_83 : memref<80x128xf32, #tpu.memory_space<hbm>>) target_semaphore(%run_scoped3A : memref<!tpu.dma_semaphore, #tpu.memory_space<semaphore_mem>>)
      %dma_wait3A = arith.constant 0 : i32
      %dma_wait3A_86 = tpu.memref_slice %arg6[%arg0, %add3A_73, %dma_wait3A] : memref<2x10240x128xf32, #tpu.memory_space<hbm>> -> memref<1x80x128xf32, #tpu.memory_space<hbm>>
      %dma_wait3A_87 = tpu.memref_squeeze %dma_wait3A_86 : memref<1x80x128xf32, #tpu.memory_space<hbm>> -> memref<80x128xf32, #tpu.memory_space<hbm>>
      %dma_wait3A_88 = arith.constant 0 : i32
      %dma_wait3A_89 = tpu.memref_slice %arg11[%add3A_73, %dma_wait3A_88] : memref<10240x128xf32, #tpu.memory_space<vmem_shared>> -> memref<80x128xf32, #tpu.memory_space<vmem_shared>>
      tpu.wait_dma2 semaphore(%run_scoped3A : memref<!tpu.dma_semaphore, #tpu.memory_space<semaphore_mem>>) src(%dma_wait3A_89 : memref<80x128xf32, #tpu.memory_space<vmem_shared>>) dst(%dma_wait3A_87 : memref<80x128xf32, #tpu.memory_space<hbm>>)
      tpu.yield
    }) : () -> ()
    %mul3A_74 = arith.constant 640 : i32
    %mul3A_75 = arith.muli %arg1, %mul3A_74 : i32
    %add3A_76 = arith.constant 480 : i32
    %add3A_77 = arith.addi %mul3A_75, %add3A_76 : i32
    "tpu.region"() ({
      %run_scoped3A = tpu.sem_alloc : memref<!tpu.dma_semaphore, #tpu.memory_space<semaphore_mem>>
      %dma_start3A = arith.constant 0 : i32
      %dma_start3A_82 = tpu.memref_slice %arg6[%arg0, %add3A_77, %dma_start3A] : memref<2x10240x128xf32, #tpu.memory_space<hbm>> -> memref<1x80x128xf32, #tpu.memory_space<hbm>>
      %dma_start3A_83 = tpu.memref_squeeze %dma_start3A_82 : memref<1x80x128xf32, #tpu.memory_space<hbm>> -> memref<80x128xf32, #tpu.memory_space<hbm>>
      %dma_start3A_84 = arith.constant 0 : i32
      %dma_start3A_85 = tpu.memref_slice %arg11[%add3A_77, %dma_start3A_84] : memref<10240x128xf32, #tpu.memory_space<vmem_shared>> -> memref<80x128xf32, #tpu.memory_space<vmem_shared>>
      tpu.enqueue_dma source(%dma_start3A_85 : memref<80x128xf32, #tpu.memory_space<vmem_shared>>) target(%dma_start3A_83 : memref<80x128xf32, #tpu.memory_space<hbm>>) target_semaphore(%run_scoped3A : memref<!tpu.dma_semaphore, #tpu.memory_space<semaphore_mem>>)
      %dma_wait3A = arith.constant 0 : i32
      %dma_wait3A_86 = tpu.memref_slice %arg6[%arg0, %add3A_77, %dma_wait3A] : memref<2x10240x128xf32, #tpu.memory_space<hbm>> -> memref<1x80x128xf32, #tpu.memory_space<hbm>>
      %dma_wait3A_87 = tpu.memref_squeeze %dma_wait3A_86 : memref<1x80x128xf32, #tpu.memory_space<hbm>> -> memref<80x128xf32, #tpu.memory_space<hbm>>
      %dma_wait3A_88 = arith.constant 0 : i32
      %dma_wait3A_89 = tpu.memref_slice %arg11[%add3A_77, %dma_wait3A_88] : memref<10240x128xf32, #tpu.memory_space<vmem_shared>> -> memref<80x128xf32, #tpu.memory_space<vmem_shared>>
      tpu.wait_dma2 semaphore(%run_scoped3A : memref<!tpu.dma_semaphore, #tpu.memory_space<semaphore_mem>>) src(%dma_wait3A_89 : memref<80x128xf32, #tpu.memory_space<vmem_shared>>) dst(%dma_wait3A_87 : memref<80x128xf32, #tpu.memory_space<hbm>>)
      tpu.yield
    }) : () -> ()
    %mul3A_78 = arith.constant 640 : i32
    %mul3A_79 = arith.muli %arg1, %mul3A_78 : i32
    %add3A_80 = arith.constant 560 : i32
    %add3A_81 = arith.addi %mul3A_79, %add3A_80 : i32
    "tpu.region"() ({
      %run_scoped3A = tpu.sem_alloc : memref<!tpu.dma_semaphore, #tpu.memory_space<semaphore_mem>>
      %dma_start3A = arith.constant 0 : i32
      %dma_start3A_82 = tpu.memref_slice %arg6[%arg0, %add3A_81, %dma_start3A] : memref<2x10240x128xf32, #tpu.memory_space<hbm>> -> memref<1x80x128xf32, #tpu.memory_space<hbm>>
      %dma_start3A_83 = tpu.memref_squeeze %dma_start3A_82 : memref<1x80x128xf32, #tpu.memory_space<hbm>> -> memref<80x128xf32, #tpu.memory_space<hbm>>
      %dma_start3A_84 = arith.constant 0 : i32
      %dma_start3A_85 = tpu.memref_slice %arg11[%add3A_81, %dma_start3A_84] : memref<10240x128xf32, #tpu.memory_space<vmem_shared>> -> memref<80x128xf32, #tpu.memory_space<vmem_shared>>
      tpu.enqueue_dma source(%dma_start3A_85 : memref<80x128xf32, #tpu.memory_space<vmem_shared>>) target(%dma_start3A_83 : memref<80x128xf32, #tpu.memory_space<hbm>>) target_semaphore(%run_scoped3A : memref<!tpu.dma_semaphore, #tpu.memory_space<semaphore_mem>>)
      %dma_wait3A = arith.constant 0 : i32
      %dma_wait3A_86 = tpu.memref_slice %arg6[%arg0, %add3A_81, %dma_wait3A] : memref<2x10240x128xf32, #tpu.memory_space<hbm>> -> memref<1x80x128xf32, #tpu.memory_space<hbm>>
      %dma_wait3A_87 = tpu.memref_squeeze %dma_wait3A_86 : memref<1x80x128xf32, #tpu.memory_space<hbm>> -> memref<80x128xf32, #tpu.memory_space<hbm>>
      %dma_wait3A_88 = arith.constant 0 : i32
      %dma_wait3A_89 = tpu.memref_slice %arg11[%add3A_81, %dma_wait3A_88] : memref<10240x128xf32, #tpu.memory_space<vmem_shared>> -> memref<80x128xf32, #tpu.memory_space<vmem_shared>>
      tpu.wait_dma2 semaphore(%run_scoped3A : memref<!tpu.dma_semaphore, #tpu.memory_space<semaphore_mem>>) src(%dma_wait3A_89 : memref<80x128xf32, #tpu.memory_space<vmem_shared>>) dst(%dma_wait3A_87 : memref<80x128xf32, #tpu.memory_space<hbm>>)
      tpu.yield
    }) : () -> ()
    return
  }
}

</mosaic_0001>

<sc_bundles>
// kernel: _sc_aggregate.3.cloned.1.call-start
scs
__scs_entry_jumppad:
0x0: {  	(pc) =	sbr.rel $0x88, $3  }
0x1: {  	(tag) =	ssettag $0x0;
	lr =	simm.s32 $0x1  }
0x2: {  	[smem:$0x3F9D] =	sst lr;
	_ =	strace $0xD0000000  }
0x3: {  	_ = 	snop  }
0x4: {  	_ = 	snop  }
0x5: {  	_ = 	snop  }
0x6: {  	_ = 	snop  }
0x7: {  	_ = 	snop  }
__scs_overlays_trampoline_lowered:
0x8: {  	[smem:$0x3FAC] =	sst s0  }
0x9: {  	[smem:$0x3FAD] =	sst s1  }
0xa: {  	[smem:$0x3FAE] =	sst s2  }
0xb: {  	[smem:$0x3FAF] =	sst s3  }
0xc: {  	[smem:$0x3FB0] =	sst s4  }
0xd: {  	[smem:$0x3FB1] =	sst s5  }
0xe: {  	[smem:$0x3FB2] =	sst s6  }
0xf: {  	[smem:$0x3FB3] =	sst s7  }
0x10: {  	[smem:$0x3FB4] =	sst s8  }
0x11: {  	[smem:$0x3FB5] =	sst s9;
	s0 =	simm.s32 @!p0 $0x0  }
0x12: {  	s1 =	sld [smem:$0x3F9B];
	s0 =	simm.s32 @p0 $0x1  }
0x13: {  	[smem:$0x3FB6] =	sst s0;
	s0 =	simm.s32 @!p1 $0x0  }
0x14: {  	s2 =	sld [smem:$0x3F9A];
	s0 =	simm.s32 @p1 $0x1  }
0x15: {  	[smem:$0x3FB7] =	sst s0;
	s0 =	simm.s32 @!p2 $0x0  }
0x16: {  	s3 =	sld [smem:$0x3FDB];
	s0 =	simm.s32 @p2 $0x1  }
0x17: {  	s4 =	simm.s32 $0x1BF5;
	[smem:$0x3FB9] =	sst s0  }
0x18: {  	s0 =	sld [smem:$0x3F9C];
	_ =	swait.ge [sflag:s4], $0x0  }
0x19: {  	s7 =	sld [smem:$0x3F9D]  }
0x1a: {  	s8 =	sadd.s32 $0xFFFFE003, lr  }
0x1b: {  	s9 =	sadd.s32 $0xFFFFFEF7, lr;
	s5 =	simm.s32 $0xFFFFFFFF;
	p2 =	slt.u32 s8, $0xFFFFF086  }
0x1c: {  	p1 =	slt.u32 s9, $0xF7A;
	s5 =	simm.s32 @!p2 $0x0  }
0x1d: {  	s5 =	simm.s32 @p1 $0x1;
	p0 =	seq.s32 s7, s2  }
0x1e: {  	s7 =	smul.u32 @!p0 $0xF7A, s2;
	p2 =	seq.s32 @!p0 s5, $0x0  }
0x1f: {  	s9 =	smul.u32 $0xF7A, s1;
	s8 =	simm.s32 @!p0 $0x1BF5;
	p2 =	por !p2, p0  }
0x20: {  	[sflag:s8] =	ssyncset.s32 @!p0 $0xFFFFF086;
	s6 =	sadd.s32 @!p0 s3, s7;
	s7 =	simm.s32 @!p0 $0x108  }
0x21: {  	s3 =	sadd.s32 s3, s9;
	s6 =	sadd.s32 @!p0 $0x88, s6;
	s7 =	simm.s32 @p2 $0x1082  }
0x22: {  	[simem:s7], [sflag:s8] =	dma.local @!p0 [hbm:s6], $0xF7A  }
0x23: {  	s9 =	sor.u32 $0xD0000000, s2;
	s6 =	simm.s32 $0x108;
	_ =	swait.ge @!p0 [sflag:s8], $0x0  }
0x24: {  	s3 =	sadd.s32 $0x88, s3;
	s6 =	simm.s32 @!p1 $0x1082;
	[sflag:s4] =	ssyncset.s32 $0xFFFFF086  }
0x25: {  	[simem:s6], [sflag:s4] =	dma.local [hbm:s3], $0xF7A  }
0x26: {  	[smem:$0x3F9D] =	sst s1;
	(tag) =	ssettag s2;
	_ =	strace s9  }
0x27: {  	s1 =	sld [smem:$0x3FAD]  }
0x28: {  	s2 =	sld [smem:$0x3FAE]  }
0x29: {  	s4 =	sld [smem:$0x3FB0]  }
0x2a: {  	p0 =	seq.s32 s5, $0x0;
	s5 =	sld [smem:$0x3FB1]  }
0x2b: {  	s6 =	sld [smem:$0x3FB2]  }
0x2c: {  	s7 =	sld [smem:$0x3FB3]  }
0x2d: {  	s3 =	simm.s32 $0x108;
	s8 =	sld [smem:$0x3FB4]  }
0x2e: {  	s3 =	simm.s32 @!p0 $0x1082;
	s9 =	sld [smem:$0x3FB5]  }
0x2f: {  	lr =	sadd.s32 s0, s3;
	s0 =	sld [smem:$0x3FAC]  }
0x30: {  	s3 =	sld [smem:$0x3FAF]  }
0x31: {  	[smem:$0x3FB8] =	sst s10  }
0x32: {  	s10 =	sld [smem:$0x3FB6];
	_ =	sdelay $0x3  }
0x33: {  	p0 =	seq.s32 s10, $0x1;
	s10 =	sld [smem:$0x3FB8];
	_ =	sdelay $0x3  }
0x34: {  	[smem:$0x3FB8] =	sst s10  }
0x35: {  	s10 =	sld [smem:$0x3FB7];
	_ =	sdelay $0x3  }
0x36: {  	p1 =	seq.s32 s10, $0x1;
	s10 =	sld [smem:$0x3FB8];
	_ =	sdelay $0x3  }
0x37: {  	[smem:$0x3FB8] =	sst s10  }
0x38: {  	s10 =	sld [smem:$0x3FB9]  }
0x39: {  	_ = 	snop;
	(pc) =	sbr.ind lr, $3  }
0x3a: {  	_ = 	snop  }
0x3b: {  	_ = 	snop  }
0x3c: {  	p2 =	seq.s32 s10, $0x1;
	s10 =	sld [smem:$0x3FB8]  }
0x3d: {  	_ =	shalt  }
0x3e: {  	_ =	shalt  }
0x3f: {  	_ =	shalt  }
0x40: {  	_ =	shalt  }
0x41: {  	_ =	shalt  }
0x42: {  	_ =	shalt  }
0x43: {  	_ =	shalt  }
0x44: {  	_ =	shalt  }
0x45: {  	_ =	shalt  }
0x46: {  	_ =	shalt  }
0x47: {  	_ =	shalt  }
0x48: {  	_ =	shalt  }
0x49: {  	_ =	shalt  }
0x4a: {  	_ =	shalt  }
0x4b: {  	_ =	shalt  }
0x4c: {  	_ =	shalt  }
0x4d: {  	_ =	shalt  }
0x4e: {  	_ =	shalt  }
0x4f: {  	_ =	shalt  }
0x50: {  	_ =	shalt  }
0x51: {  	_ =	shalt  }
0x52: {  	_ =	shalt  }
0x53: {  	_ =	shalt  }
0x54: {  	_ =	shalt  }
0x55: {  	_ =	shalt  }
0x56: {  	_ =	shalt  }
0x57: {  	_ =	shalt  }
0x58: {  	_ =	shalt  }
0x59: {  	_ =	shalt  }
0x5a: {  	_ =	shalt  }
0x5b: {  	_ =	shalt  }
0x5c: {  	_ =	shalt  }
0x5d: {  	_ =	shalt  }
0x5e: {  	_ =	shalt  }
0x5f: {  	_ =	shalt  }
0x60: {  	_ =	shalt  }
0x61: {  	_ =	shalt  }
0x62: {  	_ =	shalt  }
0x63: {  	_ =	shalt  }
0x64: {  	_ =	shalt  }
0x65: {  	_ =	shalt  }
0x66: {  	_ =	shalt  }
0x67: {  	_ =	shalt  }
0x68: {  	_ =	shalt  }
0x69: {  	_ =	shalt  }
0x6a: {  	_ =	shalt  }
0x6b: {  	_ =	shalt  }
0x6c: {  	_ =	shalt  }
0x6d: {  	_ =	shalt  }
0x6e: {  	_ =	shalt  }
0x6f: {  	_ =	shalt  }
0x70: {  	_ =	shalt  }
0x71: {  	_ =	shalt  }
0x72: {  	_ =	shalt  }
0x73: {  	_ =	shalt  }
0x74: {  	_ =	shalt  }
0x75: {  	_ =	shalt  }
0x76: {  	_ =	shalt  }
0x77: {  	_ =	shalt  }
0x78: {  	_ =	shalt  }
0x79: {  	_ =	shalt  }
0x7a: {  	_ =	shalt  }
0x7b: {  	_ =	shalt  }
0x7c: {  	_ =	shalt  }
0x7d: {  	_ =	shalt  }
0x7e: {  	_ =	shalt  }
0x7f: {  	_ =	shalt  }
0x80: {  	_ =	shalt  }
0x81: {  	_ =	shalt  }
0x82: {  	_ =	shalt  }
0x83: {  	_ =	shalt  }
0x84: {  	_ =	shalt  }
0x85: {  	_ =	shalt  }
0x86: {  	_ =	shalt  }
0x87: {  	_ =	shalt  }
.Lfunc_end0:
.L_simem_size_0:
called_computation_lowered:
.L_overlay_start_0:
0x88: {  	s2 =	sld [smem:$0x3FD9]  }
0x89: {  	s3 =	sld [smem:$0x3FFE];
	_ =	sdelay $0x1  }
0x8a: {  	s1 =	srdreg.scid  }
0x8b: {  	s0 =	sand.u32 $0x1, s1  }
0x8c: {  	s18 =	sshll.u32 s0, $0xA;
	s2 =	sadd.s32 s3, s2  }
0x8d: {  	s2 =	sadd.s32 s2, s18  }
0x8e: {  	[smem:$0x3FC4] =	sst s2  }
0x8f: {  	_ = 	snop  }
0x90: {  	s2 =	sld [smem:$0x3FC9]  }
0x91: {  	s19 =	sld [smem:$0x3FC8]  }
0x92: {  	s4 =	sld [smem:$0x3FC7]  }
0x93: {  	s5 =	sld [smem:$0x3FC6]  }
0x94: {  	s6 =	sld [smem:$0x3FD0];
	(tm) =	ssettm $0x1  }
0x95: {  	s7 =	sld [smem:$0x3FFB];
	_ =	sdelay $0x3  }
0x96: {  	_ =	strace s7  }
0x97: {  	s7 =	sld [smem:$0x3FFC];
	_ =	sdelay $0x3  }
0x98: {  	_ =	strace s7  }
0x99: {  	s7 =	sld [smem:$0x3FFD];
	_ =	sdelay $0x3  }
0x9a: {  	_ =	strace s7  }
0x9b: {  	_ =	strace $0x8FFFFFFF  }
0x9c: {  	s20 =	sld [smem:$0x3FDB];
	_ =	sdelay $0x1  }
0x9d: {  	s8 =	simm.s32 $_scs_section_size  }
0x9e: {  	s9 =	simm.s32 $_size__tile_overlayer_lowered;
	s10 =	simm.s32 $_tile_overlayer_lowered  }
0x9f: {  	s23 =	simm.s32 $0x1BFF;
	s22 =	sshll.u32 s10, $0x1;
	s7 =	sadd.s32 s8, s20  }
0xa0: {  	s11 =	simm.s32 $0x0;
	s21 =	sshll.u32 s9, $0x1;
	s9 =	sadd.s32 s22, s7  }
0xa1: {  	[timem:s11], [sflag:s23] =	dma.local [hbm:s9], s21  }
0xa2: {  	_ =	swait.ge [sflag:s23], s21  }
0xa3: {  	s8 =	ssub.s32 $0x0, s21;
	[sflag:s23] =	ssyncset.done $0x0  }
0xa4: {  	[sflag:s23] =	ssyncadd.s32 s8;
	_ =	sdelay $0x1  }
0xa5: {  	s24 =	simm.s32 $0x1B8B  }
0xa6: {  	_ =	swait.ge [sflag:s24], $0x1  }
0xa7: {  	[sflag:s24] =	ssyncset.done $0x0  }
0xa8: {  	s25 =	simm.s32 $0x1B8E;
	[sflag:s24] =	ssyncadd.s32 $0xFFFFFFFF  }
0xa9: {  	s26 =	simm.s32 $execute0_lowered;
	[smem:$0x3FD2] =	sst s25  }
0xaa: {  	s8 =	sshll.u32 s26, $0x1;
	_ =	strace $0x80000046;
	[dreg:$0x1] =	wrdreg $0xFFFFFFFF  }
0xab: {  	s28 =	simm.s32 $_size_execute0_lowered;
	s7 =	sadd.s32 s7, s8;
	[dreg:$0x0] =	wrdreg $0x0  }
0xac: {  	s8 =	sshll.u32 s28, $0x1;
	[dreg:$0x2] =	wrdreg s7  }
0xad: {  	[dreg:$0x3] =	wrdreg s8  }
0xae: {  	[dreg:$0x4] =	wrdreg $0xC0  }
0xaf: {  	_ =	task [dreg:s11], $0x5FFFF  }
0xb0: {  	[dreg:$0x1] =	wrdreg $0xFFFFFFFF  }
0xb1: {  	[dreg:$0x0] =	wrdreg $0x60  }
0xb2: {  	[dreg:$0x2] =	wrdreg s2  }
0xb3: {  	[dreg:$0x3] =	wrdreg s19  }
0xb4: {  	[dreg:$0x4] =	wrdreg s4  }
0xb5: {  	[dreg:$0x5] =	wrdreg s5  }
0xb6: {  	[dreg:$0x6] =	wrdreg s6  }
0xb7: {  	[dreg:$0x7] =	wrdreg $0x51000  }
0xb8: {  	[dreg:$0x8] =	wrdreg $0x9  }
0xb9: {  	_ =	task.clear_ibuf [dreg:s11], $0x9FFFF;
	_ =	strace $0x90000046  }
0xba: {  	s29 =	simm.s32 $0x9;
	_ =	strace $0x80000048  }
0xbb: {  	_ =	swait.ge [sflag:s29], $0x1  }
0xbc: {  	[sflag:s29] =	ssyncadd.s32 $0xFFFFFFFF  }
0xbd: {  	_ =	strace $0x90000048  }
0xbe: {  	_ =	sfence  }
0xbf: {  	s30 =	sld [smem:$0x0];
	_ =	sdelay $0x2  }
0xc0: {  	s31 =	sshll.u32 s1, $0xD;
	s1 =	sshrl.u32 s1, $0x2  }
0xc1: {  	s3 =	sand.u32 $0x4000, s31;
	s1 =	sadd.s32 s1, s30  }
0xc2: {  	s0 =	sor.u32 s3, s0;
	s1 =	sshll.u32 s1, $0x11  }
0xc3: {  	s0 =	sor.u32 s1, s0  }
0xc4: {  	s0 =	sadd.s32 $0x8F2B, s0  }
0xc5: {  	[sflag:s0] =	ssyncadd.remote.s32 $0x1  }
0xc6: {  	_ =	sfence.sel $0xFFFF  }
0xc7: {  	[dreg:$0x0] =	wrdreg $0xFFFFFFFF;
	(pc) =	sbr.abs _section_cstart, $3  }
0xc8: {  	[dreg:$0x1] =	wrdreg $0xFFFFFFFF  }
0xc9: {  	_ =	task.clear_ibuf [dreg:s11], $0x2FFFF;
	_ =	strace $0x9FFFFFFF  }
0xca: {  	(tm) =	ssettm $0x7FFFFFFF  }
0xcb: {  	_ =	shalt  }
tec
execute0_lowered:
.L_overlay_start_1:
0x0: {  	(tag) =	ssettag $0x1  }
0x1: {  	s0 =	rddreg [dreg:$0x0]  }
0x2: {  	s1 =	rddreg [dreg:$0x1]  }
0x3: {  	s2 =	rddreg [dreg:$0x2]  }
0x4: {  	s4 =	rddreg [dreg:$0x3]  }
0x5: {  	s3 =	srdreg.scid;
	s5 =	rddreg [dreg:$0x4]  }
0x6: {  	s16 =	stileid.u32;
	s6 =	rddreg [dreg:$0x5];
	s7 =	simm.s32 $0x0  }
0x7: {  	s28 =	simm.s32 $0x2;
	s29 =	simm.s32 $0x80;
	s30 =	simm.s32 $0x50  }
0x8: {  	s31 =	simm.s32 $0x2900;
	s3 =	sand.u32 $0x1, s3;
	s10 =	smul.u32 $0x14000, s16  }
0x9: {  	[smem:$0x7FF] =	sst s7;
	s8 =	ssub.s32 $0x2, s3;
	s26 =	sshll.u32 s3, $0x4  }
0xa: {  	s3 =	smul.u32 $0x140000, s3;
	s9 =	sshrl.u32 s8, $0x1;
	s18 =	sor.u32 $0x2800, s10  }
0xb: {  	s19 =	sadd.s32 $0x5000, s10;
	s20 =	sadd.s32 $0x7800, s10;
	s21 =	sadd.s32 $0xA000, s10  }
0xc: {  	s22 =	sadd.s32 $0xC800, s10;
	s23 =	sadd.s32 $0xF000, s10;
	s25 =	sor.u32 s16, s26  }
0xd: {  	s8 =	ssub.s32 s8, s9;
	s11 =	sadd.s32 s10, s3;
	s10 =	sadd.s32 $0x11800, s10  }
0xe: {  	s12 =	sadd.s32 s3, s18;
	s13 =	sadd.s32 s3, s19;
	s15 =	sadd.s32 s3, s20  }
0xf: {  	s24 =	sadd.s32 s3, s21;
	s18 =	sadd.s32 s18, s6;
	s19 =	sadd.s32 s19, s6  }
0x10: {  	s20 =	sadd.s32 s20, s6;
	s21 =	sadd.s32 s21, s6;
	s11 =	sshrl.u32 s11, $0x3  }
0x11: {  	s12 =	sshrl.u32 s12, $0x3;
	s14 =	sshrl.u32 s13, $0x3;
	s17 =	sshrl.u32 s15, $0x3  }
0x12: {  	s13 =	sadd.s32 s3, s22;
	s22 =	sadd.s32 s22, s6;
	s11 =	sadd.s32 s5, s11  }
0x13: {  	s13 =	sshrl.u32 s13, $0x3;
	[dreg:$0x7] =	wrdreg s11;
	s11 =	sadd.s32 s5, s12  }
0x14: {  	s12 =	sshrl.u32 s24, $0x3;
	s13 =	sadd.s32 s5, s13;
	s24 =	sadd.s32 s10, s6  }
0x15: {  	[dreg:$0x8] =	wrdreg s11;
	s11 =	sadd.s32 s5, s14;
	s12 =	sadd.s32 s5, s12  }
0x16: {  	s14 =	sadd.s32 s3, s23;
	s3 =	sadd.s32 s3, s10;
	s23 =	sadd.s32 s23, s6  }
0x17: {  	[dreg:$0x9] =	wrdreg s11;
	s11 =	sadd.s32 s5, s17;
	s17 =	smul.u32 $0x50000, s16  }
0x18: {  	s14 =	sshrl.u32 s14, $0x3;
	s3 =	sshrl.u32 s3, $0x3;
	s16 =	smul.u32 $0x2710, s25  }
0x19: {  	s25 =	smax.u32 s8, $0x1;
	[dreg:$0xa] =	wrdreg s11;
	s14 =	sadd.s32 s5, s14  }
0x1a: {  	s15 =	sadd.s32 s5, s3;
	s5 =	simm.s32 $0x1;
	s26 =	sshrl.u32 s17, $0x2  }
0x1b: {  	v0 =	vimm.f32 $0.0e+00;
	_ =	strace $0x80000047;
	s17 =	sadd.s32 s26, s6;
	s26 =	simm.s32 $0x100  }
.LBB2_1:
0x1c: {  	s3 =	simm.s32 $0x0;
	s8 =	simm.s32 $0x200  }
.LBB2_2:
0x1d: {  	p0 =	sne.s32 s8, $0x9E00;
	[tilespmem:s3+$0x170] =	vst v0  }
0x1e: {  	[tilespmem:s3+$0x100] =	vst v0  }
0x1f: {  	[tilespmem:s3+$0x110] =	vst v0  }
.Ltmp0:
0x20: {  	[tilespmem:s3+$0x120] =	vst v0;
	(pc) =	sbr.rel @p0 .LBB2_2-.Ltmp0, $4  }
0x21: {  	[tilespmem:s3+$0x130] =	vst v0  }
0x22: {  	[tilespmem:s3+$0x140] =	vst v0  }
0x23: {  	[tilespmem:s3+$0x150] =	vst v0  }
0x24: {  	[tilespmem:s3+$0x160] =	vst v0;
	s3 =	sshra.s32 s8, $0x2;
	s8 =	sadd.s32 $0x200, s8  }
0x25: {  	[tilespmem:s3+$0x170] =	vst v0  }
0x26: {  	[tilespmem:s3+$0x100] =	vst v0  }
0x27: {  	[tilespmem:s3+$0x110] =	vst v0  }
0x28: {  	[tilespmem:s3+$0x120] =	vst v0  }
0x29: {  	[tilespmem:s3+$0x130] =	vst v0  }
0x2a: {  	[tilespmem:s3+$0x140] =	vst v0  }
0x2b: {  	[tilespmem:s3+$0x150] =	vst v0  }
0x2c: {  	[tilespmem:s3+$0x160] =	vst v0  }
0x2d: {  	[spmem:s17] =	stream.linear.scatter [tilespmem:s26], [sflag:$0x2], $0x2800, $0x38;
	[tilespmem:$0x19100] =	vst v63  }
0x2e: {  	_ =	swait.ge [sflag:s28], $0x2800  }
0x2f: {  	[sflag:s28] =	ssyncset.done $0x0  }
0x30: {  	[sflag:s28] =	ssyncadd.s32 $0xFFFFD800  }
0x31: {  	[spmem:s18] =	stream.linear.scatter [tilespmem:s26], [sflag:$0x2], $0x2800, $0x38;
	[tilespmem:$0x19100] =	vst v63  }
0x32: {  	_ =	swait.ge [sflag:s28], $0x2800  }
0x33: {  	[sflag:s28] =	ssyncset.done $0x0  }
0x34: {  	[sflag:s28] =	ssyncadd.s32 $0xFFFFD800  }
0x35: {  	[spmem:s19] =	stream.linear.scatter [tilespmem:s26], [sflag:$0x2], $0x2800, $0x38;
	[tilespmem:$0x19100] =	vst v63  }
0x36: {  	_ =	swait.ge [sflag:s28], $0x2800  }
0x37: {  	[sflag:s28] =	ssyncset.done $0x0  }
0x38: {  	[sflag:s28] =	ssyncadd.s32 $0xFFFFD800  }
0x39: {  	[spmem:s20] =	stream.linear.scatter [tilespmem:s26], [sflag:$0x2], $0x2800, $0x38;
	[tilespmem:$0x19100] =	vst v63  }
0x3a: {  	_ =	swait.ge [sflag:s28], $0x2800  }
0x3b: {  	[sflag:s28] =	ssyncset.done $0x0  }
0x3c: {  	[sflag:s28] =	ssyncadd.s32 $0xFFFFD800  }
0x3d: {  	[spmem:s21] =	stream.linear.scatter [tilespmem:s26], [sflag:$0x2], $0x2800, $0x38;
	[tilespmem:$0x19100] =	vst v63  }
0x3e: {  	_ =	swait.ge [sflag:s28], $0x2800  }
0x3f: {  	[sflag:s28] =	ssyncset.done $0x0  }
0x40: {  	[sflag:s28] =	ssyncadd.s32 $0xFFFFD800  }
0x41: {  	[spmem:s22] =	stream.linear.scatter [tilespmem:s26], [sflag:$0x2], $0x2800, $0x38;
	[tilespmem:$0x19100] =	vst v63  }
0x42: {  	_ =	swait.ge [sflag:s28], $0x2800  }
0x43: {  	[sflag:s28] =	ssyncset.done $0x0  }
0x44: {  	[sflag:s28] =	ssyncadd.s32 $0xFFFFD800  }
0x45: {  	[spmem:s23] =	stream.linear.scatter [tilespmem:s26], [sflag:$0x2], $0x2800, $0x38;
	[tilespmem:$0x19100] =	vst v63  }
0x46: {  	_ =	swait.ge [sflag:s28], $0x2800  }
0x47: {  	[sflag:s28] =	ssyncset.done $0x0  }
0x48: {  	[sflag:s28] =	ssyncadd.s32 $0xFFFFD800  }
0x49: {  	[spmem:s24] =	stream.linear.scatter [tilespmem:s26], [sflag:$0x2], $0x2800, $0x38;
	[tilespmem:$0x19100] =	vst v63  }
0x4a: {  	_ =	swait.ge [sflag:s28], $0x2800  }
0x4b: {  	[sflag:s28] =	ssyncset.done $0x0  }
0x4c: {  	[sflag:s28] =	ssyncadd.s32 $0xFFFFD800  }
0x4d: {  	s3 =	simm.s32 $0x0;
	s8 =	simm.s32 $0x0;
	[bflag:$0x0] =	sbarrier.arrive $0xFFFF  }
.LBB2_4:
0x4e: {  	s9 =	smul.u32 $0x50, s8;
	_ =	sdelay $0x1  }
0x4f: {  	s9 =	sadd.s32 s16, s9  }
0x50: {  	s10 =	sshrl.u32 s9, $0x3  }
0x51: {  	s11 =	sadd.s32 s1, s10  }
0x52: {  	[tilespmem:s3], [sflag:$0x2] =	stream.linear.gather [hbm4b:s11+s3], $0x50, $0x38;
	[tilespmem:$0x19100] =	vst v63  }
0x53: {  	_ =	swait.ge [sflag:s28], $0x50  }
0x54: {  	[sflag:s28] =	ssyncset.done $0x0  }
0x55: {  	s10 =	sadd.s32 s2, s10;
	[sflag:s28] =	ssyncadd.s32 $0xFFFFFFB0  }
0x56: {  	[tilespmem:s29], [sflag:$0x2] =	stream.linear.gather [hbm4b:s10+s3], $0x50, $0x38;
	[tilespmem:$0x19100] =	vst v63  }
0x57: {  	_ =	swait.ge [sflag:s28], $0x50  }
0x58: {  	[sflag:s28] =	ssyncset.done $0x0  }
0x59: {  	s9 =	sshll.u32 s9, $0x4;
	[sflag:s28] =	ssyncadd.s32 $0xFFFFFFB0  }
0x5a: {  	[tilespmem:s26], [sflag:$0x1] =	stream.indirect.gather [hbm4b:s0+s30], $0x80, s3, s30, $0xb8;
	[tilespmem:$0x19100] =	vst v63  }
0x5b: {  	s9 =	sadd.s32 s4, s9  }
0x5c: {  	[tilespmem:s31], [sflag:$0x2] =	stream.linear.gather [hbm4b:s9+s3], $0x2800, $0x38;
	[tilespmem:$0x19100] =	vst v63  }
0x5d: {  	_ =	swait.ge [sflag:s28], $0x2800  }
0x5e: {  	[sflag:s28] =	ssyncset.done $0x0  }
0x5f: {  	[sflag:s28] =	ssyncadd.s32 $0xFFFFD800  }
0x60: {  	_ =	swait.ge [sflag:s5], $0x2800  }
0x61: {  	[sflag:s5] =	ssyncset.done $0x0  }
0x62: {  	s9 =	simm.s32 $0x0;
	[sflag:s5] =	ssyncadd.s32 $0xFFFFD800  }
0x63: {  	v8 =	vld [tilespmem:s9+$0x2900]  }
0x64: {  	v12 =	vld [tilespmem:s9+$0x2910]  }
0x65: {  	v6 =	vld [tilespmem:s9+$0x2920]  }
0x66: {  	v5 =	vld [tilespmem:s9+$0x2930]  }
0x67: {  	v4 =	vld [tilespmem:s9+$0x2940]  }
0x68: {  	v3 =	vld [tilespmem:s9+$0x2950]  }
0x69: {  	v2 =	vld [tilespmem:s9+$0x2960]  }
0x6a: {  	v1 =	vld [tilespmem:s9+$0x2970]  }
0x6b: {  	v13 =	vld [tilespmem:s9+$0x100]  }
0x6c: {  	v14 =	vld [tilespmem:s9+$0x110]  }
0x6d: {  	v11 =	vld [tilespmem:s9+$0x120]  }
0x6e: {  	v10 =	vld [tilespmem:s9+$0x130]  }
0x6f: {  	v9 =	vld [tilespmem:s9+$0x140]  }
0x70: {  	v7 =	vld [tilespmem:s9+$0x150];
	v13 =	vmul.f32 v8, v13  }
0x71: {  	s10 =	simm.s32 $0x200;
	v12 =	vmul.f32 v12, v14;
	v8 =	vld [tilespmem:s9+$0x160]  }
.LBB2_5:
0x72: {  	s11 =	sshra.s32 s10, $0x2;
	p0 =	sne.s32 s10, $0x9E00;
	[tilespmem:s9+$0x100] =	vst v13;
	v6 =	vmul.f32 v6, v11;
	v11 =	vld [tilespmem:s9+$0x170]  }
0x73: {  	v13 =	vld [tilespmem:s11+$0x2900];
	[tilespmem:s9+$0x110] =	vst v12;
	v5 =	vmul.f32 v5, v10  }
0x74: {  	v12 =	vld [tilespmem:s11+$0x2910];
	[tilespmem:s9+$0x120] =	vst v6;
	v4 =	vmul.f32 v4, v9  }
0x75: {  	v6 =	vld [tilespmem:s11+$0x2920];
	[tilespmem:s9+$0x130] =	vst v5;
	v3 =	vmul.f32 v3, v7  }
0x76: {  	v5 =	vld [tilespmem:s11+$0x2930];
	[tilespmem:s9+$0x140] =	vst v4;
	v2 =	vmul.f32 v2, v8  }
0x77: {  	v4 =	vld [tilespmem:s11+$0x2940];
	[tilespmem:s9+$0x150] =	vst v3;
	v1 =	vmul.f32 v1, v11  }
0x78: {  	v3 =	vld [tilespmem:s11+$0x2950];
	[tilespmem:s9+$0x160] =	vst v2  }
0x79: {  	v2 =	vld [tilespmem:s11+$0x2960];
	[tilespmem:s9+$0x170] =	vst v1;
	s9 =	smov.u32 s11  }
0x7a: {  	v1 =	vld [tilespmem:s9+$0x2970]  }
0x7b: {  	v7 =	vld [tilespmem:s9+$0x100]  }
0x7c: {  	v8 =	vld [tilespmem:s9+$0x110]  }
.Ltmp1:
0x7d: {  	v11 =	vld [tilespmem:s9+$0x120];
	(pc) =	sbr.rel @p0 .LBB2_5-.Ltmp1, $4  }
0x7e: {  	v10 =	vld [tilespmem:s9+$0x130]  }
0x7f: {  	v9 =	vld [tilespmem:s9+$0x140]  }
0x80: {  	v13 =	vmul.f32 v13, v7;
	v7 =	vld [tilespmem:s9+$0x150]  }
0x81: {  	s10 =	sadd.s32 $0x200, s10;
	v12 =	vmul.f32 v12, v8;
	v8 =	vld [tilespmem:s9+$0x160]  }
0x82: {  	[tilespmem:s9+$0x100] =	vst v13;
	v6 =	vmul.f32 v6, v11;
	v63 =	vld [tilespmem:s9+$0x170]  }
0x83: {  	[tilespmem:s9+$0x110] =	vst v12;
	v5 =	vmul.f32 v5, v10  }
0x84: {  	[tilespmem:s9+$0x120] =	vst v6;
	v4 =	vmul.f32 v4, v9  }
0x85: {  	[tilespmem:s9+$0x130] =	vst v5;
	v3 =	vmul.f32 v3, v7  }
0x86: {  	[tilespmem:s9+$0x140] =	vst v4;
	v2 =	vmul.f32 v2, v8  }
0x87: {  	s8 =	sadd.s32 $0x1, s8;
	[tilespmem:s9+$0x150] =	vst v3;
	v1 =	vmul.f32 v1, v63  }
0x88: {  	p0 =	sne.s32 s8, $0x7D;
	[tilespmem:s9+$0x160] =	vst v2  }
.Ltmp2:
0x89: {  	[tilespmem:s9+$0x170] =	vst v1;
	(pc) =	sbr.rel @p0 .LBB2_4-.Ltmp2, $4  }
0x8a: {  	[spmem:s6] =	stream.indirect.scatter.add.f32 [tilespmem:s26], [sflag:$0x2], $0x80, s29, s30, $0xb8;
	[tilespmem:$0x19100] =	vst v63  }
0x8b: {  	_ =	swait.ge [sflag:s28], $0x2800  }
0x8c: {  	[sflag:s28] =	ssyncset.done $0x0  }
0x8d: {  	[sflag:s28] =	ssyncadd.s32 $0xFFFFD800  }
0x8e: {  	s3 =	stileid.u32  }
0x8f: {  	[bflag:$0x0] =	sbarrier.arrive $0xFFFF;
	s3 =	sshll.u32 s3, $0x6  }
0x90: {  	s8 =	sshrl.u32 s17, $0x3;
	s9 =	rddreg [dreg:$0x7];
	s3 =	sor.u32 $0x1C02, s3  }
0x91: {  	[hbm:s9], [sflag:s3] =	dma.local [spmem:s8], $0x500  }
0x92: {  	_ =	swait.ge [sflag:s28], $0x500  }
0x93: {  	[sflag:s28] =	ssyncset.done $0x0  }
0x94: {  	s10 =	sshrl.u32 s18, $0x3;
	s11 =	rddreg [dreg:$0x8];
	[sflag:s28] =	ssyncadd.s32 $0xFFFFFB00  }
0x95: {  	[hbm:s11], [sflag:s3] =	dma.local [spmem:s10], $0x500  }
0x96: {  	_ =	swait.ge [sflag:s28], $0x500  }
0x97: {  	[sflag:s28] =	ssyncset.done $0x0  }
0x98: {  	s10 =	sshrl.u32 s19, $0x3;
	s11 =	rddreg [dreg:$0x9];
	[sflag:s28] =	ssyncadd.s32 $0xFFFFFB00  }
0x99: {  	[hbm:s11], [sflag:s3] =	dma.local [spmem:s10], $0x500  }
0x9a: {  	_ =	swait.ge [sflag:s28], $0x500  }
0x9b: {  	[sflag:s28] =	ssyncset.done $0x0  }
0x9c: {  	s9 =	sshrl.u32 s20, $0x3;
	s10 =	rddreg [dreg:$0xa];
	[sflag:s28] =	ssyncadd.s32 $0xFFFFFB00  }
0x9d: {  	[hbm:s10], [sflag:s3] =	dma.local [spmem:s9], $0x500  }
0x9e: {  	_ =	swait.ge [sflag:s28], $0x500  }
0x9f: {  	[sflag:s28] =	ssyncset.done $0x0  }
0xa0: {  	s11 =	sshrl.u32 s21, $0x3;
	[sflag:s28] =	ssyncadd.s32 $0xFFFFFB00  }
0xa1: {  	[hbm:s12], [sflag:s3] =	dma.local [spmem:s11], $0x500  }
0xa2: {  	_ =	swait.ge [sflag:s28], $0x500  }
0xa3: {  	[sflag:s28] =	ssyncset.done $0x0  }
0xa4: {  	s9 =	sshrl.u32 s22, $0x3;
	[sflag:s28] =	ssyncadd.s32 $0xFFFFFB00  }
0xa5: {  	[hbm:s13], [sflag:s3] =	dma.local [spmem:s9], $0x500  }
0xa6: {  	_ =	swait.ge [sflag:s28], $0x500  }
0xa7: {  	[sflag:s28] =	ssyncset.done $0x0  }
0xa8: {  	s10 =	sshrl.u32 s23, $0x3;
	[sflag:s28] =	ssyncadd.s32 $0xFFFFFB00  }
0xa9: {  	[hbm:s14], [sflag:s3] =	dma.local [spmem:s10], $0x500  }
0xaa: {  	s7 =	sadd.s32 $0x1, s7;
	_ =	swait.ge [sflag:s28], $0x500  }
0xab: {  	p0 =	sne.s32 s7, s25;
	[sflag:s28] =	ssyncset.done $0x0  }
.Ltmp3:
0xac: {  	s11 =	sshrl.u32 s24, $0x3;
	[sflag:s28] =	ssyncadd.s32 $0xFFFFFB00;
	(pc) =	sbr.rel @p0 .LBB2_1-.Ltmp3, $4  }
0xad: {  	[hbm:s15], [sflag:s3] =	dma.local [spmem:s11], $0x500  }
0xae: {  	_ =	swait.ge [sflag:s28], $0x500  }
0xaf: {  	[sflag:s28] =	ssyncset.done $0x0  }
0xb0: {  	[sflag:s28] =	ssyncadd.s32 $0xFFFFFB00  }
0xb1: {  	_ =	sfence.sel $0x180000  }
0xb2: {  	[bflag:$0x0] =	sbarrier.arrive $0xFFFF  }
0xb3: {  	_ =	strace $0x90000047  }
0xb4: {  	s0 =	stileid.u32;
	[bflag:$0x2] =	sbarrier.arrive $0xFFFF  }
0xb5: {  	p0 =	sne.s32 s0, $0x0;
	s0 =	rddreg [dreg:$0x6]  }
0xb6: {  	s0 =	sadd.s32 @!p0 $0x100000, s0  }
0xb7: {  	[sflag:s0] =	ssyncadd.tile.s32 @!p0 $0x1;
	_ =	shalt  }
.Lfunc_end2:
_tile_overlayer_lowered:
.L_overlay_start_2:
0xb8: {  	(tag) =	ssettag $0x2  }
0xb9: {  	s0 =	rddreg [dreg:$0x0];
	s2 =	stileid.u32  }
0xba: {  	s1 =	rddreg [dreg:$0x1];
	p0 =	sne.s32 s2, $0x0  }
0xbb: {  	s3 =	rddreg [dreg:$0x2];
	[bflag:$0x3] =	sbarrier.arrive $0xFFFF;
	s2 =	simm.s32 @!p0 $0x1C02  }
0xbc: {  	[timem:s3], [sflag:s2] =	dma.local @!p0 [hbm:s0], s1  }
0xbd: {  	s0 =	simm.s32 @!p0 $0x2  }
0xbe: {  	_ =	swait.ge @!p0 [sflag:s0], s1  }
0xbf: {  	s1 =	ssub.s32 @!p0 $0x0, s1;
	[sflag:s0] =	ssyncset.done @!p0 $0x0  }
0xc0: {  	[sflag:s0] =	ssyncadd.s32 @!p0 s1  }
0xc1: {  	[bflag:$0x3] =	sbarrier.arrive $0xFFFF  }
0xc2: {  	_ =	shalt  }

</sc_bundles>
